<compile_context>
chip_gen: v7x
topology: tpu7x:2x2x1
jax: 0.10.2.dev20260603
libtpu: 0.0.44.dev20260713+nightly
codegen_flags: <defaults>
</compile_context>

<pallas_src>
import numpy as np
import jax
import jax.numpy as jnp
from jax import lax
from jax.experimental import pallas as pl
from jax.experimental.pallas import tpu as pltpu
from jax.experimental.pallas import tpu_sc as plsc

N = 1_000_000
B = 128
K = 256
NW = 16
NV = 3912
CH = NV * 16
PADN = CH * NW
SELCAP = 272
TOPBIT = np.uint32(0x80000000)


def _keys_of(x):
    b = lax.bitcast_convert_type(x, jnp.uint32)
    neg = b >= TOPBIT
    flip = jnp.where(neg, np.uint32(0xFFFFFFFF), TOPBIT)
    return b ^ flip


def _sload(ref, *idx):
    idxs = [jnp.broadcast_to(i, (16,)) for i in idx]
    return plsc.load_gather(ref, idxs)[0]


def _body(scores_hbm, labels_hbm, out_hbm, lab_v, hist_v, lhist_v, merge_v,
          sel_v, sel_i, tie_v, tie_i, gidx_v, gdat_v, info_v, red_v,
          outacc_v, sh_hist, sh_info, sh_acc, sem):
    wid = lax.axis_index("s")
    lanes = lax.iota(jnp.int32, 16)
    ones16 = jnp.ones((16,), jnp.int32)

    pltpu.sync_copy(labels_hbm.at[pl.ds(wid * NV, NV)], lab_v)

    prefix = np.uint32(0)
    r = np.int32(K)
    for lvl in range(4):
        sh = np.uint32(24 - 8 * lvl)
        psh = np.uint32(32 - 8 * lvl)

        def zbody(i, c):
            plsc.store_scatter(hist_v, [i * 16 + lanes],
                               jnp.zeros((16,), jnp.int32))
            return c
        lax.fori_loop(0, 256, zbody, 0)

        def sbody(i, c, _lvl=lvl, _sh=sh, _psh=psh, _prefix=prefix):
            ku = _keys_of(lab_v[i])
            binv = lax.convert_element_type(
                (ku >> _sh) & np.uint32(0xFF), jnp.int32)
            slot = binv * 16 + lanes
            if _lvl == 0:
                plsc.addupdate_scatter(hist_v, [slot], ones16)
            else:
                msk = (ku >> _psh) == _prefix
                plsc.addupdate_scatter(hist_v, [slot], ones16, mask=msk)
            return c
        lax.fori_loop(0, NV, sbody, 0)

        def rbody(g, c):
            def jbody(j, acc):
                return acc + plsc.load_gather(
                    hist_v, [g * 256 + lanes * 16 + j])
            red = lax.fori_loop(0, 16, jbody, jnp.zeros((16,), jnp.int32))
            plsc.store_scatter(lhist_v, [g * 16 + lanes], red)
            return c
        lax.fori_loop(0, 16, rbody, 0)

        pltpu.sync_copy(lhist_v, sh_hist.at[pl.ds(wid * 256, 256)])
        plsc.subcore_barrier()
        pltpu.sync_copy(sh_hist, merge_v)
        plsc.subcore_barrier()

        def gbody(g, c):
            def wbody(w, acc):
                return acc + merge_v[pl.ds(w * 256 + g * 16, 16)]
            red = lax.fori_loop(0, 16, wbody, jnp.zeros((16,), jnp.int32))
            plsc.store_scatter(lhist_v, [g * 16 + lanes], red)
            return c
        lax.fori_loop(0, 16, gbody, 0)

        def cond(c):
            return c[1] < r

        def step(c):
            b2 = c[0] - 1
            return (b2, c[1] + _sload(lhist_v, b2))
        t, s_at_t = lax.while_loop(cond, step, (np.int32(256), np.int32(0)))
        c_t = _sload(lhist_v, t)
        r = r - (s_at_t - c_t)
        prefix = (prefix << np.uint32(8)) | lax.convert_element_type(t, jnp.uint32)

    T = prefix
    base = wid * np.int32(CH)

    def fbody(i, carry):
        nsel, ncap, ntot = carry
        x = lab_v[i]
        ku = _keys_of(x)
        idxv = base + i * 16 + lanes
        gt = ku > T
        gti = lax.convert_element_type(gt, jnp.int32)
        rg = plsc.cumsum(gti)
        posg = nsel + rg - gti
        plsc.store_scatter(sel_v, [posg], x, mask=gt)
        plsc.store_scatter(sel_i, [posg], idxv, mask=gt)
        cg = jnp.max(rg)
        eq = ku == T
        eqi = lax.convert_element_type(eq, jnp.int32)
        re = plsc.cumsum(eqi)
        keep = eq & ((ncap + re) <= np.int32(K))
        pose = ncap + re - eqi
        plsc.store_scatter(tie_v, [pose], x, mask=keep)
        plsc.store_scatter(tie_i, [pose], idxv, mask=keep)
        ce = jnp.max(re)
        kc = jnp.minimum(ce, jnp.maximum(np.int32(K) - ncap, 0))
        return (nsel + cg, ncap + kc, ntot + ce)

    nsel, ncap, ntot = lax.fori_loop(
        0, NV, fbody, (np.int32(0), np.int32(0), np.int32(0)))

    info_v[...] = jnp.where(lanes == 0, ntot, np.int32(0))
    pltpu.sync_copy(info_v, sh_info.at[pl.ds(wid * 16, 16)])
    plsc.subcore_barrier()
    pltpu.sync_copy(sh_info, merge_v.at[pl.ds(0, 256)])

    def pbody(w, p):
        return p + jnp.where(w < wid, _sload(merge_v, w * 16), np.int32(0))
    ptie = lax.fori_loop(0, 16, pbody, np.int32(0))
    q = jnp.clip(r - ptie, np.int32(0), ntot)
    ntake = nsel + q

    ramp = lanes * np.int32(N)

    def gatherbody(e, acc):
        is_sel = e < nsel
        e2 = jnp.maximum(e - nsel, 0)
        val = jnp.where(is_sel, _sload(sel_v, e), _sload(tie_v, e2))
        id0 = jnp.where(is_sel, _sload(sel_i, e), _sload(tie_i, e2))
        for v in range(8):
            gidx_v[pl.ds(v * 16, 16)] = id0 + np.int32(v * 16 * N) + ramp
        pltpu.async_copy(scores_hbm.at[gidx_v], gdat_v, sem).wait()
        vv = jnp.broadcast_to(val, (16,))
        for v in range(8):
            d = gdat_v[pl.ds(v * 16, 16)] - vv
            acc = acc + d * d
        return acc

    acc = lax.fori_loop(0, ntake, gatherbody, jnp.zeros((16,), jnp.float32))

    outacc_v[...] = acc
    pltpu.sync_copy(outacc_v, sh_acc.at[pl.ds(wid * 16, 16)])
    plsc.subcore_barrier()

    @pl.when(wid == 0)
    def _():
        pltpu.sync_copy(sh_acc, red_v)

        def rb(w, a):
            return a + red_v[pl.ds(w * 16, 16)]
        tot = lax.fori_loop(0, 16, rb, jnp.zeros((16,), jnp.float32))
        loss = jnp.sum(tot) * np.float32(1.0 / (B * K))
        outacc_v[...] = jnp.broadcast_to(loss, (16,))
        pltpu.sync_copy(outacc_v, out_hbm)


def _sc_call(scores_flat, labels2d):
    mesh = plsc.VectorSubcoreMesh(
        core_axis_name="c", subcore_axis_name="s", num_cores=1, num_subcores=16)
    kfn = pl.kernel(
        _body,
        out_type=jax.ShapeDtypeStruct((16,), jnp.float32),
        mesh=mesh,
        compiler_params=pltpu.CompilerParams(
            needs_layout_passes=False, use_tc_tiling_on_sc=False),
        scratch_types=[
            pltpu.VMEM((NV, 16), jnp.float32),
            pltpu.VMEM((4096,), jnp.int32),
            pltpu.VMEM((256,), jnp.int32),
            pltpu.VMEM((4096,), jnp.int32),
            pltpu.VMEM((SELCAP,), jnp.float32),
            pltpu.VMEM((SELCAP,), jnp.int32),
            pltpu.VMEM((SELCAP,), jnp.float32),
            pltpu.VMEM((SELCAP,), jnp.int32),
            pltpu.VMEM((B,), jnp.int32),
            pltpu.VMEM((B,), jnp.float32),
            pltpu.VMEM((16,), jnp.int32),
            pltpu.VMEM((256,), jnp.float32),
            pltpu.VMEM((16,), jnp.float32),
            pltpu.VMEM_SHARED((4096,), jnp.int32),
            pltpu.VMEM_SHARED((256,), jnp.int32),
            pltpu.VMEM_SHARED((256,), jnp.float32),
            pltpu.SemaphoreType.DMA,
        ],
    )
    return kfn(scores_flat, labels2d)


@jax.jit
def kernel(scores, labels):
    scores_flat = scores.reshape(B * N)
    lab = labels.reshape(N)
    pad = jnp.full((PADN - N,), -jnp.inf, jnp.float32)
    lab2d = jnp.concatenate([lab, pad]).reshape(PADN // 16, 16)
    out = _sc_call(scores_flat, lab2d)
    return out[0]

# --- scband reference (transcript-rebuilt; emitter-appended) ---
"""Pipeline reference for scband-top-kloss-47425028882482 (READ-ONLY COPY).

The authoritative reference and input builder live on the scoring server;
editing this copy changes nothing except your own understanding.
"""

import jax, jax.numpy as jnp
import numpy as np

K = 256

def setup_inputs(seed: int = 0) -> dict:
    key = jax.random.key(seed)
    k1, k2 = jax.random.split(key)
    scores = jax.random.normal(k1, (128, 1000000), dtype=jnp.float32)
    labels = jax.random.normal(k2, (1, 1000000), dtype=jnp.float32)
    return {"scores": scores, "labels": labels}


def reference(scores, labels):
    # labels.topk(k) along last dim -> vals/idxs of shape [1, K]
    topKVals, topKIdxs = jax.lax.top_k(labels, K)
    idx = jnp.squeeze(topKIdxs, 0)  # [K]
    # scores[:, idx] -> [B, K]
    pred = jnp.take(scores, idx, axis=1)
    # nn.MSELoss() with broadcasting of target [1, K] against input [B, K]
    diff = pred - topKVals
    return jnp.mean(diff * diff)

if __name__ == "__main__":
    import jax
    _d = setup_inputs()
    print(jax.jit(kernel)(*tuple(_d.values())))

</pallas_src>

<mosaic_0001>
#map = affine_map<(d0, d1) -> (0)>
#map1 = affine_map<(d0, d1) -> (0, 0)>
module attributes {stable_mosaic.version = 14 : i64} {
  func.func @_body(%arg0: i32, %arg1: i32, %arg2: memref<128000000xf32, #tpu.memory_space<hbm>>, %arg3: memref<62592x16xf32, #tpu.memory_space<hbm>>, %arg4: memref<16xf32, #tpu.memory_space<hbm>>, %arg5: memref<3912x16xf32, #tpu.memory_space<vmem>>, %arg6: memref<4096xi32, #tpu.memory_space<vmem>>, %arg7: memref<256xi32, #tpu.memory_space<vmem>>, %arg8: memref<4096xi32, #tpu.memory_space<vmem>>, %arg9: memref<272xf32, #tpu.memory_space<vmem>>, %arg10: memref<272xi32, #tpu.memory_space<vmem>>, %arg11: memref<272xf32, #tpu.memory_space<vmem>>, %arg12: memref<272xi32, #tpu.memory_space<vmem>>, %arg13: memref<128xi32, #tpu.memory_space<vmem>>, %arg14: memref<128xf32, #tpu.memory_space<vmem>>, %arg15: memref<16xi32, #tpu.memory_space<vmem>>, %arg16: memref<256xf32, #tpu.memory_space<vmem>>, %arg17: memref<16xf32, #tpu.memory_space<vmem>>, %arg18: memref<4096xi32, #tpu.memory_space<vmem_shared>>, %arg19: memref<256xi32, #tpu.memory_space<vmem_shared>>, %arg20: memref<256xf32, #tpu.memory_space<vmem_shared>>, %arg21: memref<!tpu.dma_semaphore, #tpu.memory_space<semaphore_mem>>) attributes {dimension_semantics = [#tpu.dimension_semantics<core_parallel>, #tpu.dimension_semantics<subcore_parallel>], iteration_bounds = array<i64: 1, 16>, scalar_prefetch = 0 : i64, scratch_operands = 17 : i64, tpu.core_type = #tpu.core_type<sc_vector_subcore>, window_params = [{transform_indices = #map}, {transform_indices = #map1}, {transform_indices = #map}]} {
    %iota3A = tpu.iota {dimensions = array<i32: 0>} : vector<16xi32>
    %broadcast_in_dim3A = arith.constant 1 : i32
    %broadcast_in_dim3A_0 = vector.broadcast %broadcast_in_dim3A : i32 to vector<16xi32>
    %mul3A = arith.constant 3912 : i32
    %mul3A_1 = arith.muli %arg1, %mul3A : i32
    "tpu.region"() ({
      %run_scoped3A = tpu.sem_alloc : memref<!tpu.dma_semaphore, #tpu.memory_space<semaphore_mem>>
      %dma_start3A = arith.constant 0 : i32
      %dma_start3A_205 = tpu.memref_slice %arg3[%mul3A_1, %dma_start3A] : memref<62592x16xf32, #tpu.memory_space<hbm>> -> memref<3912x16xf32, #tpu.memory_space<hbm>>
      %dma_start3A_206 = arith.constant 0 : i32
      %dma_start3A_207 = tpu.memref_slice %arg3[%mul3A_1, %dma_start3A_206] : memref<62592x16xf32, #tpu.memory_space<hbm>> -> memref<3912x16xf32, #tpu.memory_space<hbm>>
      tpu.enqueue_dma source(%dma_start3A_207 : memref<3912x16xf32, #tpu.memory_space<hbm>>) target(%arg5 : memref<3912x16xf32, #tpu.memory_space<vmem>>) target_semaphore(%run_scoped3A : memref<!tpu.dma_semaphore, #tpu.memory_space<semaphore_mem>>)
      %dma_wait3A = arith.constant 0 : i32
      %dma_wait3A_208 = tpu.memref_slice %arg3[%mul3A_1, %dma_wait3A] : memref<62592x16xf32, #tpu.memory_space<hbm>> -> memref<3912x16xf32, #tpu.memory_space<hbm>>
      %dma_wait3A_209 = arith.constant 0 : i32
      %dma_wait3A_210 = tpu.memref_slice %arg3[%mul3A_1, %dma_wait3A_209] : memref<62592x16xf32, #tpu.memory_space<hbm>> -> memref<3912x16xf32, #tpu.memory_space<hbm>>
      tpu.wait_dma2 semaphore(%run_scoped3A : memref<!tpu.dma_semaphore, #tpu.memory_space<semaphore_mem>>) src(%dma_wait3A_210 : memref<3912x16xf32, #tpu.memory_space<hbm>>) dst(%arg5 : memref<3912x16xf32, #tpu.memory_space<vmem>>)
      tpu.yield
    }) : () -> ()
    %scan3A = arith.constant 0 : i32
    %scan3A_2 = arith.constant 0 : i32
    %scan3A_3 = arith.constant 256 : i32
    %scan3A_4 = arith.addi %scan3A_2, %scan3A_3 : i32
    %scan3A_5 = arith.constant 1 : i32
    scf.for %scan3A_205 = %scan3A_2 to %scan3A_4 step %scan3A_5  : i32 {
      %mul3A_206 = arith.constant 16 : i32
      %mul3A_207 = arith.muli %scan3A_205, %mul3A_206 : i32
      %add3A_208 = vector.broadcast %mul3A_207 : i32 to vector<16xi32>
      %add3A_209 = arith.addi %add3A_208, %iota3A : vector<16xi32>
      %broadcast_in_dim3A_210 = arith.constant 0 : i32
      %broadcast_in_dim3A_211 = vector.broadcast %broadcast_in_dim3A_210 : i32 to vector<16xi32>
      tpu.vector_store_idx %arg6[%add3A_209], %broadcast_in_dim3A_211 : memref<4096xi32, #tpu.memory_space<vmem>>[vector<16xi32>], vector<16xi32>,
    }
    %scan3A_6 = arith.constant 256 : i32
    %scan3A_7 = arith.constant 0 : i32
    %scan3A_8 = arith.constant 0 : i32
    %scan3A_9 = arith.constant 3912 : i32
    %scan3A_10 = arith.addi %scan3A_8, %scan3A_9 : i32
    %scan3A_11 = arith.constant 1 : i32
    scf.for %scan3A_205 = %scan3A_8 to %scan3A_10 step %scan3A_11  : i32 {
      %get3A = arith.index_cast %scan3A_205 : i32 to index
      %get3A_206 = arith.constant 0 : index
      %get3A_207 = tpu.vector_load %arg5[%get3A, %get3A_206] {strides = array<i32>} : memref<3912x16xf32, #tpu.memory_space<vmem>>, vector<16xf32>,
      %bitcast_convert_type3A = tpu.bitcast %get3A_207 : vector<16xf32> -> vector<16xi32>
      %ge3A = arith.constant -2147483648 : i32
      %ge3A_208 = vector.broadcast %ge3A : i32 to vector<16xi32>
      %ge3A_209 = arith.cmpi uge, %bitcast_convert_type3A, %ge3A_208 : vector<16xi32>
      %jit3A_210 = arith.constant -1 : i32
      %jit3A_211 = arith.constant -2147483648 : i32
      %broadcast_in_dim3A_212 = vector.broadcast %jit3A_210 : i32 to vector<16xi32>
      %broadcast_in_dim3A_213 = vector.broadcast %jit3A_211 : i32 to vector<16xi32>
      %select_n3A_214 = arith.select %ge3A_209, %broadcast_in_dim3A_212, %broadcast_in_dim3A_213 : vector<16xi1>, vector<16xi32>
      %xor3A = arith.xori %bitcast_convert_type3A, %select_n3A_214 : vector<16xi32>
      %shift_right_logical3A = arith.constant 24 : i32
      %shift_right_logical3A_215 = vector.broadcast %shift_right_logical3A : i32 to vector<16xi32>
      %shift_right_logical3A_216 = arith.shrui %xor3A, %shift_right_logical3A_215 : vector<16xi32>
      %and3A = arith.constant 255 : i32
      %and3A_217 = vector.broadcast %and3A : i32 to vector<16xi32>
      %and3A_218 = arith.andi %shift_right_logical3A_216, %and3A_217 : vector<16xi32>
      %mul3A_219 = arith.constant 16 : i32
      %mul3A_220 = vector.broadcast %mul3A_219 : i32 to vector<16xi32>
      %mul3A_221 = arith.muli %and3A_218, %mul3A_220 : vector<16xi32>
      %add3A_222 = arith.addi %mul3A_221, %iota3A : vector<16xi32>
      tpu.vector_store_idx %arg6[%add3A_222], %broadcast_in_dim3A_0 {add = true} : memref<4096xi32, #tpu.memory_space<vmem>>[vector<16xi32>], vector<16xi32>,
    }
    %scan3A_12 = arith.constant 3912 : i32
    %scan3A_13 = arith.constant 0 : i32
    %scan3A_14 = arith.constant 0 : i32
    %scan3A_15 = arith.constant 16 : i32
    %scan3A_16 = arith.addi %scan3A_14, %scan3A_15 : i32
    %scan3A_17 = arith.constant 1 : i32
    scf.for %scan3A_205 = %scan3A_14 to %scan3A_16 step %scan3A_17  : i32 {
      %broadcast_in_dim3A_206 = arith.constant 0 : i32
      %broadcast_in_dim3A_207 = vector.broadcast %broadcast_in_dim3A_206 : i32 to vector<16xi32>
      %scan3A_208 = arith.constant 0 : i32
      %scan3A_209 = arith.constant 16 : i32
      %scan3A_210 = arith.addi %scan3A_208, %scan3A_209 : i32
      %scan3A_211 = arith.constant 1 : i32
      %scan3A_212 = scf.for %scan3A_218 = %scan3A_208 to %scan3A_210 step %scan3A_211 iter_args(%scan3A_219 = %broadcast_in_dim3A_207) -> (vector<16xi32>)  : i32 {
        %mul3A_220 = arith.constant 256 : i32
        %mul3A_221 = arith.muli %scan3A_205, %mul3A_220 : i32
        %mul3A_222 = arith.constant 16 : i32
        %mul3A_223 = vector.broadcast %mul3A_222 : i32 to vector<16xi32>
        %mul3A_224 = arith.muli %iota3A, %mul3A_223 : vector<16xi32>
        %add3A_225 = vector.broadcast %mul3A_221 : i32 to vector<16xi32>
        %add3A_226 = arith.addi %add3A_225, %mul3A_224 : vector<16xi32>
        %add3A_227 = vector.broadcast %scan3A_218 : i32 to vector<16xi32>
        %add3A_228 = arith.addi %add3A_226, %add3A_227 : vector<16xi32>
        %gather3A_229 = tpu.vector_load_idx %arg6[%add3A_228] : memref<4096xi32, #tpu.memory_space<vmem>>[vector<16xi32>], vector<16xi32>,
        %add3A_230 = arith.addi %scan3A_219, %gather3A_229 : vector<16xi32>
        scf.yield %add3A_230 : vector<16xi32>
      }
      %scan3A_213 = arith.constant 16 : i32
      %mul3A_214 = arith.constant 16 : i32
      %mul3A_215 = arith.muli %scan3A_205, %mul3A_214 : i32
      %add3A_216 = vector.broadcast %mul3A_215 : i32 to vector<16xi32>
      %add3A_217 = arith.addi %add3A_216, %iota3A : vector<16xi32>
      tpu.vector_store_idx %arg7[%add3A_217], %scan3A_212 : memref<256xi32, #tpu.memory_space<vmem>>[vector<16xi32>], vector<16xi32>,
    }
    %scan3A_18 = arith.constant 16 : i32
    %mul3A_19 = arith.constant 256 : i32
    %mul3A_20 = arith.muli %arg1, %mul3A_19 : i32
    "tpu.region"() ({
      %run_scoped3A = tpu.sem_alloc : memref<!tpu.dma_semaphore, #tpu.memory_space<semaphore_mem>>
      %dma_start3A = tpu.memref_slice %arg18[%mul3A_20] : memref<4096xi32, #tpu.memory_space<vmem_shared>> -> memref<256xi32, #tpu.memory_space<vmem_shared>>
      %dma_start3A_205 = tpu.memref_slice %arg18[%mul3A_20] : memref<4096xi32, #tpu.memory_space<vmem_shared>> -> memref<256xi32, #tpu.memory_space<vmem_shared>>
      tpu.enqueue_dma source(%arg7 : memref<256xi32, #tpu.memory_space<vmem>>) target(%dma_start3A_205 : memref<256xi32, #tpu.memory_space<vmem_shared>>) target_semaphore(%run_scoped3A : memref<!tpu.dma_semaphore, #tpu.memory_space<semaphore_mem>>)
      %dma_wait3A = tpu.memref_slice %arg18[%mul3A_20] : memref<4096xi32, #tpu.memory_space<vmem_shared>> -> memref<256xi32, #tpu.memory_space<vmem_shared>>
      %dma_wait3A_206 = tpu.memref_slice %arg18[%mul3A_20] : memref<4096xi32, #tpu.memory_space<vmem_shared>> -> memref<256xi32, #tpu.memory_space<vmem_shared>>
      tpu.wait_dma2 semaphore(%run_scoped3A : memref<!tpu.dma_semaphore, #tpu.memory_space<semaphore_mem>>) src(%arg7 : memref<256xi32, #tpu.memory_space<vmem>>) dst(%dma_wait3A_206 : memref<256xi32, #tpu.memory_space<vmem_shared>>)
      tpu.yield
    }) : () -> ()
    %barrier3A = arith.constant 0 : index
    tpu.barrier barrier_id(%barrier3A)
    "tpu.region"() ({
      %run_scoped3A = tpu.sem_alloc : memref<!tpu.dma_semaphore, #tpu.memory_space<semaphore_mem>>
      tpu.enqueue_dma source(%arg18 : memref<4096xi32, #tpu.memory_space<vmem_shared>>) target(%arg8 : memref<4096xi32, #tpu.memory_space<vmem>>) target_semaphore(%run_scoped3A : memref<!tpu.dma_semaphore, #tpu.memory_space<semaphore_mem>>)
      tpu.wait_dma2 semaphore(%run_scoped3A : memref<!tpu.dma_semaphore, #tpu.memory_space<semaphore_mem>>) src(%arg18 : memref<4096xi32, #tpu.memory_space<vmem_shared>>) dst(%arg8 : memref<4096xi32, #tpu.memory_space<vmem>>)
      tpu.yield
    }) : () -> ()
    %barrier3A_21 = arith.constant 0 : index
    tpu.barrier barrier_id(%barrier3A_21)
    %scan3A_22 = arith.constant 0 : i32
    %scan3A_23 = arith.constant 0 : i32
    %scan3A_24 = arith.constant 16 : i32
    %scan3A_25 = arith.addi %scan3A_23, %scan3A_24 : i32
    %scan3A_26 = arith.constant 1 : i32
    scf.for %scan3A_205 = %scan3A_23 to %scan3A_25 step %scan3A_26  : i32 {
      %broadcast_in_dim3A_206 = arith.constant 0 : i32
      %broadcast_in_dim3A_207 = vector.broadcast %broadcast_in_dim3A_206 : i32 to vector<16xi32>
      %scan3A_208 = arith.constant 0 : i32
      %scan3A_209 = arith.constant 16 : i32
      %scan3A_210 = arith.addi %scan3A_208, %scan3A_209 : i32
      %scan3A_211 = arith.constant 1 : i32
      %scan3A_212 = scf.for %scan3A_218 = %scan3A_208 to %scan3A_210 step %scan3A_211 iter_args(%scan3A_219 = %broadcast_in_dim3A_207) -> (vector<16xi32>)  : i32 {
        %mul3A_220 = arith.constant 256 : i32
        %mul3A_221 = arith.muli %scan3A_218, %mul3A_220 : i32
        %mul3A_222 = arith.constant 16 : i32
        %mul3A_223 = arith.muli %scan3A_205, %mul3A_222 : i32
        %add3A_224 = arith.addi %mul3A_221, %mul3A_223 : i32
        %get3A = arith.index_cast %add3A_224 : i32 to index
        %get3A_225 = tpu.vector_load %arg8[%get3A] {strides = array<i32>} : memref<4096xi32, #tpu.memory_space<vmem>>, vector<16xi32>,
        %add3A_226 = arith.addi %scan3A_219, %get3A_225 : vector<16xi32>
        scf.yield %add3A_226 : vector<16xi32>
      }
      %scan3A_213 = arith.constant 16 : i32
      %mul3A_214 = arith.constant 16 : i32
      %mul3A_215 = arith.muli %scan3A_205, %mul3A_214 : i32
      %add3A_216 = vector.broadcast %mul3A_215 : i32 to vector<16xi32>
      %add3A_217 = arith.addi %add3A_216, %iota3A : vector<16xi32>
      tpu.vector_store_idx %arg7[%add3A_217], %scan3A_212 : memref<256xi32, #tpu.memory_space<vmem>>[vector<16xi32>], vector<16xi32>,
    }
    %scan3A_27 = arith.constant 16 : i32
    %while3A = arith.constant 256 : i32
    %while3A_28 = arith.constant 0 : i32
    %while3A_29:2 = scf.while (%while3A_205 = %while3A, %while3A_206 = %while3A_28) : (i32, i32) -> (i32, i32) {
      %lt3A = arith.constant 256 : i32
      %lt3A_207 = arith.cmpi slt, %while3A_206, %lt3A : i32
      scf.condition(%lt3A_207) %while3A_205, %while3A_206 : i32, i32
    } do {
    ^bb0(%while3A_205: i32, %while3A_206: i32):
      %sub3A_207 = arith.constant 1 : i32
      %sub3A_208 = arith.subi %while3A_205, %sub3A_207 : i32
      %broadcast_in_dim3A_209 = vector.broadcast %sub3A_208 : i32 to vector<16xi32>
      %gather3A_210 = tpu.vector_load_idx %arg7[%broadcast_in_dim3A_209] : memref<256xi32, #tpu.memory_space<vmem>>[vector<16xi32>], vector<16xi32>,
      %slice3A_211 = vector.extract_strided_slice %gather3A_210 {offsets = [0], sizes = [1], strides = [1]} : vector<16xi32> to vector<1xi32>
      %squeeze3A_212 = vector.extract %slice3A_211[0] : i32 from vector<1xi32>
      %add3A_213 = arith.addi %while3A_206, %squeeze3A_212 : i32
      scf.yield %sub3A_208, %add3A_213 : i32, i32
    }
    %broadcast_in_dim3A_30 = vector.broadcast %while3A_29#0 : i32 to vector<16xi32>
    %gather3A = tpu.vector_load_idx %arg7[%broadcast_in_dim3A_30] : memref<256xi32, #tpu.memory_space<vmem>>[vector<16xi32>], vector<16xi32>,
    %slice3A = vector.extract_strided_slice %gather3A {offsets = [0], sizes = [1], strides = [1]} : vector<16xi32> to vector<1xi32>
    %squeeze3A = vector.extract %slice3A[0] : i32 from vector<1xi32>
    %sub3A = arith.subi %while3A_29#1, %squeeze3A : i32
    %sub3A_31 = arith.constant 256 : i32
    %sub3A_32 = arith.subi %sub3A_31, %sub3A : i32
    %or3A = arith.constant 0 : i32
    %or3A_33 = arith.ori %or3A, %while3A_29#0 : i32
    %scan3A_34 = arith.constant 0 : i32
    %scan3A_35 = arith.constant 0 : i32
    %scan3A_36 = arith.constant 256 : i32
    %scan3A_37 = arith.addi %scan3A_35, %scan3A_36 : i32
    %scan3A_38 = arith.constant 1 : i32
    scf.for %scan3A_205 = %scan3A_35 to %scan3A_37 step %scan3A_38  : i32 {
      %mul3A_206 = arith.constant 16 : i32
      %mul3A_207 = arith.muli %scan3A_205, %mul3A_206 : i32
      %add3A_208 = vector.broadcast %mul3A_207 : i32 to vector<16xi32>
      %add3A_209 = arith.addi %add3A_208, %iota3A : vector<16xi32>
      %broadcast_in_dim3A_210 = arith.constant 0 : i32
      %broadcast_in_dim3A_211 = vector.broadcast %broadcast_in_dim3A_210 : i32 to vector<16xi32>
      tpu.vector_store_idx %arg6[%add3A_209], %broadcast_in_dim3A_211 : memref<4096xi32, #tpu.memory_space<vmem>>[vector<16xi32>], vector<16xi32>,
    }
    %scan3A_39 = arith.constant 256 : i32
    %scan3A_40 = arith.constant 0 : i32
    %scan3A_41 = arith.constant 0 : i32
    %scan3A_42 = arith.constant 3912 : i32
    %scan3A_43 = arith.addi %scan3A_41, %scan3A_42 : i32
    %scan3A_44 = arith.constant 1 : i32
    scf.for %scan3A_205 = %scan3A_41 to %scan3A_43 step %scan3A_44  : i32 {
      %get3A = arith.index_cast %scan3A_205 : i32 to index
      %get3A_206 = arith.constant 0 : index
      %get3A_207 = tpu.vector_load %arg5[%get3A, %get3A_206] {strides = array<i32>} : memref<3912x16xf32, #tpu.memory_space<vmem>>, vector<16xf32>,
      %bitcast_convert_type3A = tpu.bitcast %get3A_207 : vector<16xf32> -> vector<16xi32>
      %ge3A = arith.constant -2147483648 : i32
      %ge3A_208 = vector.broadcast %ge3A : i32 to vector<16xi32>
      %ge3A_209 = arith.cmpi uge, %bitcast_convert_type3A, %ge3A_208 : vector<16xi32>
      %jit3A_210 = arith.constant -1 : i32
      %jit3A_211 = arith.constant -2147483648 : i32
      %broadcast_in_dim3A_212 = vector.broadcast %jit3A_210 : i32 to vector<16xi32>
      %broadcast_in_dim3A_213 = vector.broadcast %jit3A_211 : i32 to vector<16xi32>
      %select_n3A_214 = arith.select %ge3A_209, %broadcast_in_dim3A_212, %broadcast_in_dim3A_213 : vector<16xi1>, vector<16xi32>
      %xor3A = arith.xori %bitcast_convert_type3A, %select_n3A_214 : vector<16xi32>
      %shift_right_logical3A = arith.constant 16 : i32
      %shift_right_logical3A_215 = vector.broadcast %shift_right_logical3A : i32 to vector<16xi32>
      %shift_right_logical3A_216 = arith.shrui %xor3A, %shift_right_logical3A_215 : vector<16xi32>
      %and3A = arith.constant 255 : i32
      %and3A_217 = vector.broadcast %and3A : i32 to vector<16xi32>
      %and3A_218 = arith.andi %shift_right_logical3A_216, %and3A_217 : vector<16xi32>
      %mul3A_219 = arith.constant 16 : i32
      %mul3A_220 = vector.broadcast %mul3A_219 : i32 to vector<16xi32>
      %mul3A_221 = arith.muli %and3A_218, %mul3A_220 : vector<16xi32>
      %add3A_222 = arith.addi %mul3A_221, %iota3A : vector<16xi32>
      %shift_right_logical3A_223 = arith.constant 24 : i32
      %shift_right_logical3A_224 = vector.broadcast %shift_right_logical3A_223 : i32 to vector<16xi32>
      %shift_right_logical3A_225 = arith.shrui %xor3A, %shift_right_logical3A_224 : vector<16xi32>
      %eq3A_226 = vector.broadcast %or3A_33 : i32 to vector<16xi32>
      %eq3A_227 = arith.cmpi eq, %shift_right_logical3A_225, %eq3A_226 : vector<16xi32>
      tpu.vector_store_idx %arg6[%add3A_222], %broadcast_in_dim3A_0 masked %eq3A_227 {add = true} : memref<4096xi32, #tpu.memory_space<vmem>>[vector<16xi32>], vector<16xi32>, vector<16xi1>
    }
    %scan3A_45 = arith.constant 3912 : i32
    %scan3A_46 = arith.constant 0 : i32
    %scan3A_47 = arith.constant 0 : i32
    %scan3A_48 = arith.constant 16 : i32
    %scan3A_49 = arith.addi %scan3A_47, %scan3A_48 : i32
    %scan3A_50 = arith.constant 1 : i32
    scf.for %scan3A_205 = %scan3A_47 to %scan3A_49 step %scan3A_50  : i32 {
      %broadcast_in_dim3A_206 = arith.constant 0 : i32
      %broadcast_in_dim3A_207 = vector.broadcast %broadcast_in_dim3A_206 : i32 to vector<16xi32>
      %scan3A_208 = arith.constant 0 : i32
      %scan3A_209 = arith.constant 16 : i32
      %scan3A_210 = arith.addi %scan3A_208, %scan3A_209 : i32
      %scan3A_211 = arith.constant 1 : i32
      %scan3A_212 = scf.for %scan3A_218 = %scan3A_208 to %scan3A_210 step %scan3A_211 iter_args(%scan3A_219 = %broadcast_in_dim3A_207) -> (vector<16xi32>)  : i32 {
        %mul3A_220 = arith.constant 256 : i32
        %mul3A_221 = arith.muli %scan3A_205, %mul3A_220 : i32
        %mul3A_222 = arith.constant 16 : i32
        %mul3A_223 = vector.broadcast %mul3A_222 : i32 to vector<16xi32>
        %mul3A_224 = arith.muli %iota3A, %mul3A_223 : vector<16xi32>
        %add3A_225 = vector.broadcast %mul3A_221 : i32 to vector<16xi32>
        %add3A_226 = arith.addi %add3A_225, %mul3A_224 : vector<16xi32>
        %add3A_227 = vector.broadcast %scan3A_218 : i32 to vector<16xi32>
        %add3A_228 = arith.addi %add3A_226, %add3A_227 : vector<16xi32>
        %gather3A_229 = tpu.vector_load_idx %arg6[%add3A_228] : memref<4096xi32, #tpu.memory_space<vmem>>[vector<16xi32>], vector<16xi32>,
        %add3A_230 = arith.addi %scan3A_219, %gather3A_229 : vector<16xi32>
        scf.yield %add3A_230 : vector<16xi32>
      }
      %scan3A_213 = arith.constant 16 : i32
      %mul3A_214 = arith.constant 16 : i32
      %mul3A_215 = arith.muli %scan3A_205, %mul3A_214 : i32
      %add3A_216 = vector.broadcast %mul3A_215 : i32 to vector<16xi32>
      %add3A_217 = arith.addi %add3A_216, %iota3A : vector<16xi32>
      tpu.vector_store_idx %arg7[%add3A_217], %scan3A_212 : memref<256xi32, #tpu.memory_space<vmem>>[vector<16xi32>], vector<16xi32>,
    }
    %scan3A_51 = arith.constant 16 : i32
    %mul3A_52 = arith.constant 256 : i32
    %mul3A_53 = arith.muli %arg1, %mul3A_52 : i32
    "tpu.region"() ({
      %run_scoped3A = tpu.sem_alloc : memref<!tpu.dma_semaphore, #tpu.memory_space<semaphore_mem>>
      %dma_start3A = tpu.memref_slice %arg18[%mul3A_53] : memref<4096xi32, #tpu.memory_space<vmem_shared>> -> memref<256xi32, #tpu.memory_space<vmem_shared>>
      %dma_start3A_205 = tpu.memref_slice %arg18[%mul3A_53] : memref<4096xi32, #tpu.memory_space<vmem_shared>> -> memref<256xi32, #tpu.memory_space<vmem_shared>>
      tpu.enqueue_dma source(%arg7 : memref<256xi32, #tpu.memory_space<vmem>>) target(%dma_start3A_205 : memref<256xi32, #tpu.memory_space<vmem_shared>>) target_semaphore(%run_scoped3A : memref<!tpu.dma_semaphore, #tpu.memory_space<semaphore_mem>>)
      %dma_wait3A = tpu.memref_slice %arg18[%mul3A_53] : memref<4096xi32, #tpu.memory_space<vmem_shared>> -> memref<256xi32, #tpu.memory_space<vmem_shared>>
      %dma_wait3A_206 = tpu.memref_slice %arg18[%mul3A_53] : memref<4096xi32, #tpu.memory_space<vmem_shared>> -> memref<256xi32, #tpu.memory_space<vmem_shared>>
      tpu.wait_dma2 semaphore(%run_scoped3A : memref<!tpu.dma_semaphore, #tpu.memory_space<semaphore_mem>>) src(%arg7 : memref<256xi32, #tpu.memory_space<vmem>>) dst(%dma_wait3A_206 : memref<256xi32, #tpu.memory_space<vmem_shared>>)
      tpu.yield
    }) : () -> ()
    %barrier3A_54 = arith.constant 0 : index
    tpu.barrier barrier_id(%barrier3A_54)
    "tpu.region"() ({
      %run_scoped3A = tpu.sem_alloc : memref<!tpu.dma_semaphore, #tpu.memory_space<semaphore_mem>>
      tpu.enqueue_dma source(%arg18 : memref<4096xi32, #tpu.memory_space<vmem_shared>>) target(%arg8 : memref<4096xi32, #tpu.memory_space<vmem>>) target_semaphore(%run_scoped3A : memref<!tpu.dma_semaphore, #tpu.memory_space<semaphore_mem>>)
      tpu.wait_dma2 semaphore(%run_scoped3A : memref<!tpu.dma_semaphore, #tpu.memory_space<semaphore_mem>>) src(%arg18 : memref<4096xi32, #tpu.memory_space<vmem_shared>>) dst(%arg8 : memref<4096xi32, #tpu.memory_space<vmem>>)
      tpu.yield
    }) : () -> ()
    %barrier3A_55 = arith.constant 0 : index
    tpu.barrier barrier_id(%barrier3A_55)
    %scan3A_56 = arith.constant 0 : i32
    %scan3A_57 = arith.constant 0 : i32
    %scan3A_58 = arith.constant 16 : i32
    %scan3A_59 = arith.addi %scan3A_57, %scan3A_58 : i32
    %scan3A_60 = arith.constant 1 : i32
    scf.for %scan3A_205 = %scan3A_57 to %scan3A_59 step %scan3A_60  : i32 {
      %broadcast_in_dim3A_206 = arith.constant 0 : i32
      %broadcast_in_dim3A_207 = vector.broadcast %broadcast_in_dim3A_206 : i32 to vector<16xi32>
      %scan3A_208 = arith.constant 0 : i32
      %scan3A_209 = arith.constant 16 : i32
      %scan3A_210 = arith.addi %scan3A_208, %scan3A_209 : i32
      %scan3A_211 = arith.constant 1 : i32
      %scan3A_212 = scf.for %scan3A_218 = %scan3A_208 to %scan3A_210 step %scan3A_211 iter_args(%scan3A_219 = %broadcast_in_dim3A_207) -> (vector<16xi32>)  : i32 {
        %mul3A_220 = arith.constant 256 : i32
        %mul3A_221 = arith.muli %scan3A_218, %mul3A_220 : i32
        %mul3A_222 = arith.constant 16 : i32
        %mul3A_223 = arith.muli %scan3A_205, %mul3A_222 : i32
        %add3A_224 = arith.addi %mul3A_221, %mul3A_223 : i32
        %get3A = arith.index_cast %add3A_224 : i32 to index
        %get3A_225 = tpu.vector_load %arg8[%get3A] {strides = array<i32>} : memref<4096xi32, #tpu.memory_space<vmem>>, vector<16xi32>,
        %add3A_226 = arith.addi %scan3A_219, %get3A_225 : vector<16xi32>
        scf.yield %add3A_226 : vector<16xi32>
      }
      %scan3A_213 = arith.constant 16 : i32
      %mul3A_214 = arith.constant 16 : i32
      %mul3A_215 = arith.muli %scan3A_205, %mul3A_214 : i32
      %add3A_216 = vector.broadcast %mul3A_215 : i32 to vector<16xi32>
      %add3A_217 = arith.addi %add3A_216, %iota3A : vector<16xi32>
      tpu.vector_store_idx %arg7[%add3A_217], %scan3A_212 : memref<256xi32, #tpu.memory_space<vmem>>[vector<16xi32>], vector<16xi32>,
    }
    %scan3A_61 = arith.constant 16 : i32
    %while3A_62 = arith.constant 256 : i32
    %while3A_63 = arith.constant 0 : i32
    %while3A_64:2 = scf.while (%while3A_205 = %while3A_62, %while3A_206 = %while3A_63) : (i32, i32) -> (i32, i32) {
      %lt3A = arith.cmpi slt, %while3A_206, %sub3A_32 : i32
      scf.condition(%lt3A) %while3A_205, %while3A_206 : i32, i32
    } do {
    ^bb0(%while3A_205: i32, %while3A_206: i32):
      %sub3A_207 = arith.constant 1 : i32
      %sub3A_208 = arith.subi %while3A_205, %sub3A_207 : i32
      %broadcast_in_dim3A_209 = vector.broadcast %sub3A_208 : i32 to vector<16xi32>
      %gather3A_210 = tpu.vector_load_idx %arg7[%broadcast_in_dim3A_209] : memref<256xi32, #tpu.memory_space<vmem>>[vector<16xi32>], vector<16xi32>,
      %slice3A_211 = vector.extract_strided_slice %gather3A_210 {offsets = [0], sizes = [1], strides = [1]} : vector<16xi32> to vector<1xi32>
      %squeeze3A_212 = vector.extract %slice3A_211[0] : i32 from vector<1xi32>
      %add3A_213 = arith.addi %while3A_206, %squeeze3A_212 : i32
      scf.yield %sub3A_208, %add3A_213 : i32, i32
    }
    %broadcast_in_dim3A_65 = vector.broadcast %while3A_64#0 : i32 to vector<16xi32>
    %gather3A_66 = tpu.vector_load_idx %arg7[%broadcast_in_dim3A_65] : memref<256xi32, #tpu.memory_space<vmem>>[vector<16xi32>], vector<16xi32>,
    %slice3A_67 = vector.extract_strided_slice %gather3A_66 {offsets = [0], sizes = [1], strides = [1]} : vector<16xi32> to vector<1xi32>
    %squeeze3A_68 = vector.extract %slice3A_67[0] : i32 from vector<1xi32>
    %sub3A_69 = arith.subi %while3A_64#1, %squeeze3A_68 : i32
    %sub3A_70 = arith.subi %sub3A_32, %sub3A_69 : i32
    %shift_left3A = arith.constant 8 : i32
    %shift_left3A_71 = arith.shli %or3A_33, %shift_left3A : i32
    %or3A_72 = arith.ori %shift_left3A_71, %while3A_64#0 : i32
    %scan3A_73 = arith.constant 0 : i32
    %scan3A_74 = arith.constant 0 : i32
    %scan3A_75 = arith.constant 256 : i32
    %scan3A_76 = arith.addi %scan3A_74, %scan3A_75 : i32
    %scan3A_77 = arith.constant 1 : i32
    scf.for %scan3A_205 = %scan3A_74 to %scan3A_76 step %scan3A_77  : i32 {
      %mul3A_206 = arith.constant 16 : i32
      %mul3A_207 = arith.muli %scan3A_205, %mul3A_206 : i32
      %add3A_208 = vector.broadcast %mul3A_207 : i32 to vector<16xi32>
      %add3A_209 = arith.addi %add3A_208, %iota3A : vector<16xi32>
      %broadcast_in_dim3A_210 = arith.constant 0 : i32
      %broadcast_in_dim3A_211 = vector.broadcast %broadcast_in_dim3A_210 : i32 to vector<16xi32>
      tpu.vector_store_idx %arg6[%add3A_209], %broadcast_in_dim3A_211 : memref<4096xi32, #tpu.memory_space<vmem>>[vector<16xi32>], vector<16xi32>,
    }
    %scan3A_78 = arith.constant 256 : i32
    %scan3A_79 = arith.constant 0 : i32
    %scan3A_80 = arith.constant 0 : i32
    %scan3A_81 = arith.constant 3912 : i32
    %scan3A_82 = arith.addi %scan3A_80, %scan3A_81 : i32
    %scan3A_83 = arith.constant 1 : i32
    scf.for %scan3A_205 = %scan3A_80 to %scan3A_82 step %scan3A_83  : i32 {
      %get3A = arith.index_cast %scan3A_205 : i32 to index
      %get3A_206 = arith.constant 0 : index
      %get3A_207 = tpu.vector_load %arg5[%get3A, %get3A_206] {strides = array<i32>} : memref<3912x16xf32, #tpu.memory_space<vmem>>, vector<16xf32>,
      %bitcast_convert_type3A = tpu.bitcast %get3A_207 : vector<16xf32> -> vector<16xi32>
      %ge3A = arith.constant -2147483648 : i32
      %ge3A_208 = vector.broadcast %ge3A : i32 to vector<16xi32>
      %ge3A_209 = arith.cmpi uge, %bitcast_convert_type3A, %ge3A_208 : vector<16xi32>
      %jit3A_210 = arith.constant -1 : i32
      %jit3A_211 = arith.constant -2147483648 : i32
      %broadcast_in_dim3A_212 = vector.broadcast %jit3A_210 : i32 to vector<16xi32>
      %broadcast_in_dim3A_213 = vector.broadcast %jit3A_211 : i32 to vector<16xi32>
      %select_n3A_214 = arith.select %ge3A_209, %broadcast_in_dim3A_212, %broadcast_in_dim3A_213 : vector<16xi1>, vector<16xi32>
      %xor3A = arith.xori %bitcast_convert_type3A, %select_n3A_214 : vector<16xi32>
      %shift_right_logical3A = arith.constant 8 : i32
      %shift_right_logical3A_215 = vector.broadcast %shift_right_logical3A : i32 to vector<16xi32>
      %shift_right_logical3A_216 = arith.shrui %xor3A, %shift_right_logical3A_215 : vector<16xi32>
      %and3A = arith.constant 255 : i32
      %and3A_217 = vector.broadcast %and3A : i32 to vector<16xi32>
      %and3A_218 = arith.andi %shift_right_logical3A_216, %and3A_217 : vector<16xi32>
      %mul3A_219 = arith.constant 16 : i32
      %mul3A_220 = vector.broadcast %mul3A_219 : i32 to vector<16xi32>
      %mul3A_221 = arith.muli %and3A_218, %mul3A_220 : vector<16xi32>
      %add3A_222 = arith.addi %mul3A_221, %iota3A : vector<16xi32>
      %shift_right_logical3A_223 = arith.constant 16 : i32
      %shift_right_logical3A_224 = vector.broadcast %shift_right_logical3A_223 : i32 to vector<16xi32>
      %shift_right_logical3A_225 = arith.shrui %xor3A, %shift_right_logical3A_224 : vector<16xi32>
      %eq3A_226 = vector.broadcast %or3A_72 : i32 to vector<16xi32>
      %eq3A_227 = arith.cmpi eq, %shift_right_logical3A_225, %eq3A_226 : vector<16xi32>
      tpu.vector_store_idx %arg6[%add3A_222], %broadcast_in_dim3A_0 masked %eq3A_227 {add = true} : memref<4096xi32, #tpu.memory_space<vmem>>[vector<16xi32>], vector<16xi32>, vector<16xi1>
    }
    %scan3A_84 = arith.constant 3912 : i32
    %scan3A_85 = arith.constant 0 : i32
    %scan3A_86 = arith.constant 0 : i32
    %scan3A_87 = arith.constant 16 : i32
    %scan3A_88 = arith.addi %scan3A_86, %scan3A_87 : i32
    %scan3A_89 = arith.constant 1 : i32
    scf.for %scan3A_205 = %scan3A_86 to %scan3A_88 step %scan3A_89  : i32 {
      %broadcast_in_dim3A_206 = arith.constant 0 : i32
      %broadcast_in_dim3A_207 = vector.broadcast %broadcast_in_dim3A_206 : i32 to vector<16xi32>
      %scan3A_208 = arith.constant 0 : i32
      %scan3A_209 = arith.constant 16 : i32
      %scan3A_210 = arith.addi %scan3A_208, %scan3A_209 : i32
      %scan3A_211 = arith.constant 1 : i32
      %scan3A_212 = scf.for %scan3A_218 = %scan3A_208 to %scan3A_210 step %scan3A_211 iter_args(%scan3A_219 = %broadcast_in_dim3A_207) -> (vector<16xi32>)  : i32 {
        %mul3A_220 = arith.constant 256 : i32
        %mul3A_221 = arith.muli %scan3A_205, %mul3A_220 : i32
        %mul3A_222 = arith.constant 16 : i32
        %mul3A_223 = vector.broadcast %mul3A_222 : i32 to vector<16xi32>
        %mul3A_224 = arith.muli %iota3A, %mul3A_223 : vector<16xi32>
        %add3A_225 = vector.broadcast %mul3A_221 : i32 to vector<16xi32>
        %add3A_226 = arith.addi %add3A_225, %mul3A_224 : vector<16xi32>
        %add3A_227 = vector.broadcast %scan3A_218 : i32 to vector<16xi32>
        %add3A_228 = arith.addi %add3A_226, %add3A_227 : vector<16xi32>
        %gather3A_229 = tpu.vector_load_idx %arg6[%add3A_228] : memref<4096xi32, #tpu.memory_space<vmem>>[vector<16xi32>], vector<16xi32>,
        %add3A_230 = arith.addi %scan3A_219, %gather3A_229 : vector<16xi32>
        scf.yield %add3A_230 : vector<16xi32>
      }
      %scan3A_213 = arith.constant 16 : i32
      %mul3A_214 = arith.constant 16 : i32
      %mul3A_215 = arith.muli %scan3A_205, %mul3A_214 : i32
      %add3A_216 = vector.broadcast %mul3A_215 : i32 to vector<16xi32>
      %add3A_217 = arith.addi %add3A_216, %iota3A : vector<16xi32>
      tpu.vector_store_idx %arg7[%add3A_217], %scan3A_212 : memref<256xi32, #tpu.memory_space<vmem>>[vector<16xi32>], vector<16xi32>,
    }
    %scan3A_90 = arith.constant 16 : i32
    %mul3A_91 = arith.constant 256 : i32
    %mul3A_92 = arith.muli %arg1, %mul3A_91 : i32
    "tpu.region"() ({
      %run_scoped3A = tpu.sem_alloc : memref<!tpu.dma_semaphore, #tpu.memory_space<semaphore_mem>>
      %dma_start3A = tpu.memref_slice %arg18[%mul3A_92] : memref<4096xi32, #tpu.memory_space<vmem_shared>> -> memref<256xi32, #tpu.memory_space<vmem_shared>>
      %dma_start3A_205 = tpu.memref_slice %arg18[%mul3A_92] : memref<4096xi32, #tpu.memory_space<vmem_shared>> -> memref<256xi32, #tpu.memory_space<vmem_shared>>
      tpu.enqueue_dma source(%arg7 : memref<256xi32, #tpu.memory_space<vmem>>) target(%dma_start3A_205 : memref<256xi32, #tpu.memory_space<vmem_shared>>) target_semaphore(%run_scoped3A : memref<!tpu.dma_semaphore, #tpu.memory_space<semaphore_mem>>)
      %dma_wait3A = tpu.memref_slice %arg18[%mul3A_92] : memref<4096xi32, #tpu.memory_space<vmem_shared>> -> memref<256xi32, #tpu.memory_space<vmem_shared>>
      %dma_wait3A_206 = tpu.memref_slice %arg18[%mul3A_92] : memref<4096xi32, #tpu.memory_space<vmem_shared>> -> memref<256xi32, #tpu.memory_space<vmem_shared>>
      tpu.wait_dma2 semaphore(%run_scoped3A : memref<!tpu.dma_semaphore, #tpu.memory_space<semaphore_mem>>) src(%arg7 : memref<256xi32, #tpu.memory_space<vmem>>) dst(%dma_wait3A_206 : memref<256xi32, #tpu.memory_space<vmem_shared>>)
      tpu.yield
    }) : () -> ()
    %barrier3A_93 = arith.constant 0 : index
    tpu.barrier barrier_id(%barrier3A_93)
    "tpu.region"() ({
      %run_scoped3A = tpu.sem_alloc : memref<!tpu.dma_semaphore, #tpu.memory_space<semaphore_mem>>
      tpu.enqueue_dma source(%arg18 : memref<4096xi32, #tpu.memory_space<vmem_shared>>) target(%arg8 : memref<4096xi32, #tpu.memory_space<vmem>>) target_semaphore(%run_scoped3A : memref<!tpu.dma_semaphore, #tpu.memory_space<semaphore_mem>>)
      tpu.wait_dma2 semaphore(%run_scoped3A : memref<!tpu.dma_semaphore, #tpu.memory_space<semaphore_mem>>) src(%arg18 : memref<4096xi32, #tpu.memory_space<vmem_shared>>) dst(%arg8 : memref<4096xi32, #tpu.memory_space<vmem>>)
      tpu.yield
    }) : () -> ()
    %barrier3A_94 = arith.constant 0 : index
    tpu.barrier barrier_id(%barrier3A_94)
    %scan3A_95 = arith.constant 0 : i32
    %scan3A_96 = arith.constant 0 : i32
    %scan3A_97 = arith.constant 16 : i32
    %scan3A_98 = arith.addi %scan3A_96, %scan3A_97 : i32
    %scan3A_99 = arith.constant 1 : i32
    scf.for %scan3A_205 = %scan3A_96 to %scan3A_98 step %scan3A_99  : i32 {
      %broadcast_in_dim3A_206 = arith.constant 0 : i32
      %broadcast_in_dim3A_207 = vector.broadcast %broadcast_in_dim3A_206 : i32 to vector<16xi32>
      %scan3A_208 = arith.constant 0 : i32
      %scan3A_209 = arith.constant 16 : i32
      %scan3A_210 = arith.addi %scan3A_208, %scan3A_209 : i32
      %scan3A_211 = arith.constant 1 : i32
      %scan3A_212 = scf.for %scan3A_218 = %scan3A_208 to %scan3A_210 step %scan3A_211 iter_args(%scan3A_219 = %broadcast_in_dim3A_207) -> (vector<16xi32>)  : i32 {
        %mul3A_220 = arith.constant 256 : i32
        %mul3A_221 = arith.muli %scan3A_218, %mul3A_220 : i32
        %mul3A_222 = arith.constant 16 : i32
        %mul3A_223 = arith.muli %scan3A_205, %mul3A_222 : i32
        %add3A_224 = arith.addi %mul3A_221, %mul3A_223 : i32
        %get3A = arith.index_cast %add3A_224 : i32 to index
        %get3A_225 = tpu.vector_load %arg8[%get3A] {strides = array<i32>} : memref<4096xi32, #tpu.memory_space<vmem>>, vector<16xi32>,
        %add3A_226 = arith.addi %scan3A_219, %get3A_225 : vector<16xi32>
        scf.yield %add3A_226 : vector<16xi32>
      }
      %scan3A_213 = arith.constant 16 : i32
      %mul3A_214 = arith.constant 16 : i32
      %mul3A_215 = arith.muli %scan3A_205, %mul3A_214 : i32
      %add3A_216 = vector.broadcast %mul3A_215 : i32 to vector<16xi32>
      %add3A_217 = arith.addi %add3A_216, %iota3A : vector<16xi32>
      tpu.vector_store_idx %arg7[%add3A_217], %scan3A_212 : memref<256xi32, #tpu.memory_space<vmem>>[vector<16xi32>], vector<16xi32>,
    }
    %scan3A_100 = arith.constant 16 : i32
    %while3A_101 = arith.constant 256 : i32
    %while3A_102 = arith.constant 0 : i32
    %while3A_103:2 = scf.while (%while3A_205 = %while3A_101, %while3A_206 = %while3A_102) : (i32, i32) -> (i32, i32) {
      %lt3A = arith.cmpi slt, %while3A_206, %sub3A_70 : i32
      scf.condition(%lt3A) %while3A_205, %while3A_206 : i32, i32
    } do {
    ^bb0(%while3A_205: i32, %while3A_206: i32):
      %sub3A_207 = arith.constant 1 : i32
      %sub3A_208 = arith.subi %while3A_205, %sub3A_207 : i32
      %broadcast_in_dim3A_209 = vector.broadcast %sub3A_208 : i32 to vector<16xi32>
      %gather3A_210 = tpu.vector_load_idx %arg7[%broadcast_in_dim3A_209] : memref<256xi32, #tpu.memory_space<vmem>>[vector<16xi32>], vector<16xi32>,
      %slice3A_211 = vector.extract_strided_slice %gather3A_210 {offsets = [0], sizes = [1], strides = [1]} : vector<16xi32> to vector<1xi32>
      %squeeze3A_212 = vector.extract %slice3A_211[0] : i32 from vector<1xi32>
      %add3A_213 = arith.addi %while3A_206, %squeeze3A_212 : i32
      scf.yield %sub3A_208, %add3A_213 : i32, i32
    }
    %broadcast_in_dim3A_104 = vector.broadcast %while3A_103#0 : i32 to vector<16xi32>
    %gather3A_105 = tpu.vector_load_idx %arg7[%broadcast_in_dim3A_104] : memref<256xi32, #tpu.memory_space<vmem>>[vector<16xi32>], vector<16xi32>,
    %slice3A_106 = vector.extract_strided_slice %gather3A_105 {offsets = [0], sizes = [1], strides = [1]} : vector<16xi32> to vector<1xi32>
    %squeeze3A_107 = vector.extract %slice3A_106[0] : i32 from vector<1xi32>
    %sub3A_108 = arith.subi %while3A_103#1, %squeeze3A_107 : i32
    %sub3A_109 = arith.subi %sub3A_70, %sub3A_108 : i32
    %shift_left3A_110 = arith.constant 8 : i32
    %shift_left3A_111 = arith.shli %or3A_72, %shift_left3A_110 : i32
    %or3A_112 = arith.ori %shift_left3A_111, %while3A_103#0 : i32
    %scan3A_113 = arith.constant 0 : i32
    %scan3A_114 = arith.constant 0 : i32
    %scan3A_115 = arith.constant 256 : i32
    %scan3A_116 = arith.addi %scan3A_114, %scan3A_115 : i32
    %scan3A_117 = arith.constant 1 : i32
    scf.for %scan3A_205 = %scan3A_114 to %scan3A_116 step %scan3A_117  : i32 {
      %mul3A_206 = arith.constant 16 : i32
      %mul3A_207 = arith.muli %scan3A_205, %mul3A_206 : i32
      %add3A_208 = vector.broadcast %mul3A_207 : i32 to vector<16xi32>
      %add3A_209 = arith.addi %add3A_208, %iota3A : vector<16xi32>
      %broadcast_in_dim3A_210 = arith.constant 0 : i32
      %broadcast_in_dim3A_211 = vector.broadcast %broadcast_in_dim3A_210 : i32 to vector<16xi32>
      tpu.vector_store_idx %arg6[%add3A_209], %broadcast_in_dim3A_211 : memref<4096xi32, #tpu.memory_space<vmem>>[vector<16xi32>], vector<16xi32>,
    }
    %scan3A_118 = arith.constant 256 : i32
    %scan3A_119 = arith.constant 0 : i32
    %scan3A_120 = arith.constant 0 : i32
    %scan3A_121 = arith.constant 3912 : i32
    %scan3A_122 = arith.addi %scan3A_120, %scan3A_121 : i32
    %scan3A_123 = arith.constant 1 : i32
    scf.for %scan3A_205 = %scan3A_120 to %scan3A_122 step %scan3A_123  : i32 {
      %get3A = arith.index_cast %scan3A_205 : i32 to index
      %get3A_206 = arith.constant 0 : index
      %get3A_207 = tpu.vector_load %arg5[%get3A, %get3A_206] {strides = array<i32>} : memref<3912x16xf32, #tpu.memory_space<vmem>>, vector<16xf32>,
      %bitcast_convert_type3A = tpu.bitcast %get3A_207 : vector<16xf32> -> vector<16xi32>
      %ge3A = arith.constant -2147483648 : i32
      %ge3A_208 = vector.broadcast %ge3A : i32 to vector<16xi32>
      %ge3A_209 = arith.cmpi uge, %bitcast_convert_type3A, %ge3A_208 : vector<16xi32>
      %jit3A_210 = arith.constant -1 : i32
      %jit3A_211 = arith.constant -2147483648 : i32
      %broadcast_in_dim3A_212 = vector.broadcast %jit3A_210 : i32 to vector<16xi32>
      %broadcast_in_dim3A_213 = vector.broadcast %jit3A_211 : i32 to vector<16xi32>
      %select_n3A_214 = arith.select %ge3A_209, %broadcast_in_dim3A_212, %broadcast_in_dim3A_213 : vector<16xi1>, vector<16xi32>
      %xor3A = arith.xori %bitcast_convert_type3A, %select_n3A_214 : vector<16xi32>
      %shift_right_logical3A = arith.constant 0 : i32
      %shift_right_logical3A_215 = vector.broadcast %shift_right_logical3A : i32 to vector<16xi32>
      %shift_right_logical3A_216 = arith.shrui %xor3A, %shift_right_logical3A_215 : vector<16xi32>
      %and3A = arith.constant 255 : i32
      %and3A_217 = vector.broadcast %and3A : i32 to vector<16xi32>
      %and3A_218 = arith.andi %shift_right_logical3A_216, %and3A_217 : vector<16xi32>
      %mul3A_219 = arith.constant 16 : i32
      %mul3A_220 = vector.broadcast %mul3A_219 : i32 to vector<16xi32>
      %mul3A_221 = arith.muli %and3A_218, %mul3A_220 : vector<16xi32>
      %add3A_222 = arith.addi %mul3A_221, %iota3A : vector<16xi32>
      %shift_right_logical3A_223 = arith.constant 8 : i32
      %shift_right_logical3A_224 = vector.broadcast %shift_right_logical3A_223 : i32 to vector<16xi32>
      %shift_right_logical3A_225 = arith.shrui %xor3A, %shift_right_logical3A_224 : vector<16xi32>
      %eq3A_226 = vector.broadcast %or3A_112 : i32 to vector<16xi32>
      %eq3A_227 = arith.cmpi eq, %shift_right_logical3A_225, %eq3A_226 : vector<16xi32>
      tpu.vector_store_idx %arg6[%add3A_222], %broadcast_in_dim3A_0 masked %eq3A_227 {add = true} : memref<4096xi32, #tpu.memory_space<vmem>>[vector<16xi32>], vector<16xi32>, vector<16xi1>
    }
    %scan3A_124 = arith.constant 3912 : i32
    %scan3A_125 = arith.constant 0 : i32
    %scan3A_126 = arith.constant 0 : i32
    %scan3A_127 = arith.constant 16 : i32
    %scan3A_128 = arith.addi %scan3A_126, %scan3A_127 : i32
    %scan3A_129 = arith.constant 1 : i32
    scf.for %scan3A_205 = %scan3A_126 to %scan3A_128 step %scan3A_129  : i32 {
      %broadcast_in_dim3A_206 = arith.constant 0 : i32
      %broadcast_in_dim3A_207 = vector.broadcast %broadcast_in_dim3A_206 : i32 to vector<16xi32>
      %scan3A_208 = arith.constant 0 : i32
      %scan3A_209 = arith.constant 16 : i32
      %scan3A_210 = arith.addi %scan3A_208, %scan3A_209 : i32
      %scan3A_211 = arith.constant 1 : i32
      %scan3A_212 = scf.for %scan3A_218 = %scan3A_208 to %scan3A_210 step %scan3A_211 iter_args(%scan3A_219 = %broadcast_in_dim3A_207) -> (vector<16xi32>)  : i32 {
        %mul3A_220 = arith.constant 256 : i32
        %mul3A_221 = arith.muli %scan3A_205, %mul3A_220 : i32
        %mul3A_222 = arith.constant 16 : i32
        %mul3A_223 = vector.broadcast %mul3A_222 : i32 to vector<16xi32>
        %mul3A_224 = arith.muli %iota3A, %mul3A_223 : vector<16xi32>
        %add3A_225 = vector.broadcast %mul3A_221 : i32 to vector<16xi32>
        %add3A_226 = arith.addi %add3A_225, %mul3A_224 : vector<16xi32>
        %add3A_227 = vector.broadcast %scan3A_218 : i32 to vector<16xi32>
        %add3A_228 = arith.addi %add3A_226, %add3A_227 : vector<16xi32>
        %gather3A_229 = tpu.vector_load_idx %arg6[%add3A_228] : memref<4096xi32, #tpu.memory_space<vmem>>[vector<16xi32>], vector<16xi32>,
        %add3A_230 = arith.addi %scan3A_219, %gather3A_229 : vector<16xi32>
        scf.yield %add3A_230 : vector<16xi32>
      }
      %scan3A_213 = arith.constant 16 : i32
      %mul3A_214 = arith.constant 16 : i32
      %mul3A_215 = arith.muli %scan3A_205, %mul3A_214 : i32
      %add3A_216 = vector.broadcast %mul3A_215 : i32 to vector<16xi32>
      %add3A_217 = arith.addi %add3A_216, %iota3A : vector<16xi32>
      tpu.vector_store_idx %arg7[%add3A_217], %scan3A_212 : memref<256xi32, #tpu.memory_space<vmem>>[vector<16xi32>], vector<16xi32>,
    }
    %scan3A_130 = arith.constant 16 : i32
    %mul3A_131 = arith.constant 256 : i32
    %mul3A_132 = arith.muli %arg1, %mul3A_131 : i32
    "tpu.region"() ({
      %run_scoped3A = tpu.sem_alloc : memref<!tpu.dma_semaphore, #tpu.memory_space<semaphore_mem>>
      %dma_start3A = tpu.memref_slice %arg18[%mul3A_132] : memref<4096xi32, #tpu.memory_space<vmem_shared>> -> memref<256xi32, #tpu.memory_space<vmem_shared>>
      %dma_start3A_205 = tpu.memref_slice %arg18[%mul3A_132] : memref<4096xi32, #tpu.memory_space<vmem_shared>> -> memref<256xi32, #tpu.memory_space<vmem_shared>>
      tpu.enqueue_dma source(%arg7 : memref<256xi32, #tpu.memory_space<vmem>>) target(%dma_start3A_205 : memref<256xi32, #tpu.memory_space<vmem_shared>>) target_semaphore(%run_scoped3A : memref<!tpu.dma_semaphore, #tpu.memory_space<semaphore_mem>>)
      %dma_wait3A = tpu.memref_slice %arg18[%mul3A_132] : memref<4096xi32, #tpu.memory_space<vmem_shared>> -> memref<256xi32, #tpu.memory_space<vmem_shared>>
      %dma_wait3A_206 = tpu.memref_slice %arg18[%mul3A_132] : memref<4096xi32, #tpu.memory_space<vmem_shared>> -> memref<256xi32, #tpu.memory_space<vmem_shared>>
      tpu.wait_dma2 semaphore(%run_scoped3A : memref<!tpu.dma_semaphore, #tpu.memory_space<semaphore_mem>>) src(%arg7 : memref<256xi32, #tpu.memory_space<vmem>>) dst(%dma_wait3A_206 : memref<256xi32, #tpu.memory_space<vmem_shared>>)
      tpu.yield
    }) : () -> ()
    %barrier3A_133 = arith.constant 0 : index
    tpu.barrier barrier_id(%barrier3A_133)
    "tpu.region"() ({
      %run_scoped3A = tpu.sem_alloc : memref<!tpu.dma_semaphore, #tpu.memory_space<semaphore_mem>>
      tpu.enqueue_dma source(%arg18 : memref<4096xi32, #tpu.memory_space<vmem_shared>>) target(%arg8 : memref<4096xi32, #tpu.memory_space<vmem>>) target_semaphore(%run_scoped3A : memref<!tpu.dma_semaphore, #tpu.memory_space<semaphore_mem>>)
      tpu.wait_dma2 semaphore(%run_scoped3A : memref<!tpu.dma_semaphore, #tpu.memory_space<semaphore_mem>>) src(%arg18 : memref<4096xi32, #tpu.memory_space<vmem_shared>>) dst(%arg8 : memref<4096xi32, #tpu.memory_space<vmem>>)
      tpu.yield
    }) : () -> ()
    %barrier3A_134 = arith.constant 0 : index
    tpu.barrier barrier_id(%barrier3A_134)
    %scan3A_135 = arith.constant 0 : i32
    %scan3A_136 = arith.constant 0 : i32
    %scan3A_137 = arith.constant 16 : i32
    %scan3A_138 = arith.addi %scan3A_136, %scan3A_137 : i32
    %scan3A_139 = arith.constant 1 : i32
    scf.for %scan3A_205 = %scan3A_136 to %scan3A_138 step %scan3A_139  : i32 {
      %broadcast_in_dim3A_206 = arith.constant 0 : i32
      %broadcast_in_dim3A_207 = vector.broadcast %broadcast_in_dim3A_206 : i32 to vector<16xi32>
      %scan3A_208 = arith.constant 0 : i32
      %scan3A_209 = arith.constant 16 : i32
      %scan3A_210 = arith.addi %scan3A_208, %scan3A_209 : i32
      %scan3A_211 = arith.constant 1 : i32
      %scan3A_212 = scf.for %scan3A_218 = %scan3A_208 to %scan3A_210 step %scan3A_211 iter_args(%scan3A_219 = %broadcast_in_dim3A_207) -> (vector<16xi32>)  : i32 {
        %mul3A_220 = arith.constant 256 : i32
        %mul3A_221 = arith.muli %scan3A_218, %mul3A_220 : i32
        %mul3A_222 = arith.constant 16 : i32
        %mul3A_223 = arith.muli %scan3A_205, %mul3A_222 : i32
        %add3A_224 = arith.addi %mul3A_221, %mul3A_223 : i32
        %get3A = arith.index_cast %add3A_224 : i32 to index
        %get3A_225 = tpu.vector_load %arg8[%get3A] {strides = array<i32>} : memref<4096xi32, #tpu.memory_space<vmem>>, vector<16xi32>,
        %add3A_226 = arith.addi %scan3A_219, %get3A_225 : vector<16xi32>
        scf.yield %add3A_226 : vector<16xi32>
      }
      %scan3A_213 = arith.constant 16 : i32
      %mul3A_214 = arith.constant 16 : i32
      %mul3A_215 = arith.muli %scan3A_205, %mul3A_214 : i32
      %add3A_216 = vector.broadcast %mul3A_215 : i32 to vector<16xi32>
      %add3A_217 = arith.addi %add3A_216, %iota3A : vector<16xi32>
      tpu.vector_store_idx %arg7[%add3A_217], %scan3A_212 : memref<256xi32, #tpu.memory_space<vmem>>[vector<16xi32>], vector<16xi32>,
    }
    %scan3A_140 = arith.constant 16 : i32
    %while3A_141 = arith.constant 256 : i32
    %while3A_142 = arith.constant 0 : i32
    %while3A_143:2 = scf.while (%while3A_205 = %while3A_141, %while3A_206 = %while3A_142) : (i32, i32) -> (i32, i32) {
      %lt3A = arith.cmpi slt, %while3A_206, %sub3A_109 : i32
      scf.condition(%lt3A) %while3A_205, %while3A_206 : i32, i32
    } do {
    ^bb0(%while3A_205: i32, %while3A_206: i32):
      %sub3A_207 = arith.constant 1 : i32
      %sub3A_208 = arith.subi %while3A_205, %sub3A_207 : i32
      %broadcast_in_dim3A_209 = vector.broadcast %sub3A_208 : i32 to vector<16xi32>
      %gather3A_210 = tpu.vector_load_idx %arg7[%broadcast_in_dim3A_209] : memref<256xi32, #tpu.memory_space<vmem>>[vector<16xi32>], vector<16xi32>,
      %slice3A_211 = vector.extract_strided_slice %gather3A_210 {offsets = [0], sizes = [1], strides = [1]} : vector<16xi32> to vector<1xi32>
      %squeeze3A_212 = vector.extract %slice3A_211[0] : i32 from vector<1xi32>
      %add3A_213 = arith.addi %while3A_206, %squeeze3A_212 : i32
      scf.yield %sub3A_208, %add3A_213 : i32, i32
    }
    %broadcast_in_dim3A_144 = vector.broadcast %while3A_143#0 : i32 to vector<16xi32>
    %gather3A_145 = tpu.vector_load_idx %arg7[%broadcast_in_dim3A_144] : memref<256xi32, #tpu.memory_space<vmem>>[vector<16xi32>], vector<16xi32>,
    %slice3A_146 = vector.extract_strided_slice %gather3A_145 {offsets = [0], sizes = [1], strides = [1]} : vector<16xi32> to vector<1xi32>
    %squeeze3A_147 = vector.extract %slice3A_146[0] : i32 from vector<1xi32>
    %sub3A_148 = arith.subi %while3A_143#1, %squeeze3A_147 : i32
    %sub3A_149 = arith.subi %sub3A_109, %sub3A_148 : i32
    %shift_left3A_150 = arith.constant 8 : i32
    %shift_left3A_151 = arith.shli %or3A_112, %shift_left3A_150 : i32
    %or3A_152 = arith.ori %shift_left3A_151, %while3A_143#0 : i32
    %mul3A_153 = arith.constant 62592 : i32
    %mul3A_154 = arith.muli %arg1, %mul3A_153 : i32
    %scan3A_155 = arith.constant 0 : i32
    %scan3A_156 = arith.constant 0 : i32
    %scan3A_157 = arith.constant 0 : i32
    %scan3A_158 = arith.constant 0 : i32
    %scan3A_159 = arith.constant 3912 : i32
    %scan3A_160 = arith.addi %scan3A_158, %scan3A_159 : i32
    %scan3A_161 = arith.constant 1 : i32
    %scan3A_162:3 = scf.for %scan3A_205 = %scan3A_158 to %scan3A_160 step %scan3A_161 iter_args(%scan3A_206 = %scan3A_155, %scan3A_207 = %scan3A_156, %scan3A_208 = %scan3A_157) -> (i32, i32, i32)  : i32 {
      %get3A = arith.index_cast %scan3A_205 : i32 to index
      %get3A_209 = arith.constant 0 : index
      %get3A_210 = tpu.vector_load %arg5[%get3A, %get3A_209] {strides = array<i32>} : memref<3912x16xf32, #tpu.memory_space<vmem>>, vector<16xf32>,
      %bitcast_convert_type3A = tpu.bitcast %get3A_210 : vector<16xf32> -> vector<16xi32>
      %ge3A = arith.constant -2147483648 : i32
      %ge3A_211 = vector.broadcast %ge3A : i32 to vector<16xi32>
      %ge3A_212 = arith.cmpi uge, %bitcast_convert_type3A, %ge3A_211 : vector<16xi32>
      %jit3A_213 = arith.constant -1 : i32
      %jit3A_214 = arith.constant -2147483648 : i32
      %broadcast_in_dim3A_215 = vector.broadcast %jit3A_213 : i32 to vector<16xi32>
      %broadcast_in_dim3A_216 = vector.broadcast %jit3A_214 : i32 to vector<16xi32>
      %select_n3A_217 = arith.select %ge3A_212, %broadcast_in_dim3A_215, %broadcast_in_dim3A_216 : vector<16xi1>, vector<16xi32>
      %xor3A = arith.xori %bitcast_convert_type3A, %select_n3A_217 : vector<16xi32>
      %mul3A_218 = arith.constant 16 : i32
      %mul3A_219 = arith.muli %scan3A_205, %mul3A_218 : i32
      %add3A_220 = arith.addi %mul3A_154, %mul3A_219 : i32
      %add3A_221 = vector.broadcast %add3A_220 : i32 to vector<16xi32>
      %add3A_222 = arith.addi %add3A_221, %iota3A : vector<16xi32>
      %gt3A = vector.broadcast %or3A_152 : i32 to vector<16xi32>
      %gt3A_223 = arith.cmpi ugt, %xor3A, %gt3A : vector<16xi32>
      %convert_element_type3A_224 = arith.extui %gt3A_223 : vector<16xi1> to vector<16xi32>
      %broadcast_in_dim3A_225 = arith.constant true
      %broadcast_in_dim3A_226 = vector.broadcast %broadcast_in_dim3A_225 : i1 to vector<16xi1>
      %masked_cumsum3A = tpu.scan <sum>, %convert_element_type3A_224 masked %broadcast_in_dim3A_226 : vector<16xi32>, vector<16xi1> -> vector<16xi32>
      %add3A_227 = vector.broadcast %scan3A_206 : i32 to vector<16xi32>
      %add3A_228 = arith.addi %add3A_227, %masked_cumsum3A : vector<16xi32>
      %sub3A_229 = arith.subi %add3A_228, %convert_element_type3A_224 : vector<16xi32>
      tpu.vector_store_idx %arg9[%sub3A_229], %get3A_210 masked %gt3A_223 : memref<272xf32, #tpu.memory_space<vmem>>[vector<16xi32>], vector<16xf32>, vector<16xi1>
      tpu.vector_store_idx %arg10[%sub3A_229], %add3A_222 masked %gt3A_223 : memref<272xi32, #tpu.memory_space<vmem>>[vector<16xi32>], vector<16xi32>, vector<16xi1>
      %reduce_max3A = arith.constant true
      %reduce_max3A_230 = vector.broadcast %reduce_max3A : i1 to vector<16xi1>
      %reduce_max3A_231 = arith.constant -2147483648 : i32
      %reduce_max3A_232 = vector.broadcast %reduce_max3A_231 : i32 to vector<16xi32>
      %reduce_max3A_233 = arith.xori %masked_cumsum3A, %reduce_max3A_232 : vector<16xi32>
      %reduce_max3A_234 = tpu.scan <max>, %reduce_max3A_233 masked %reduce_max3A_230 : vector<16xi32>, vector<16xi1> -> vector<16xi32>
      %reduce_max3A_235 = arith.xori %reduce_max3A_234, %reduce_max3A_232 : vector<16xi32>
      %reduce_max3A_236 = vector.extract %reduce_max3A_235[15] : i32 from vector<16xi32>
      %eq3A_237 = vector.broadcast %or3A_152 : i32 to vector<16xi32>
      %eq3A_238 = arith.cmpi eq, %xor3A, %eq3A_237 : vector<16xi32>
      %convert_element_type3A_239 = arith.extui %eq3A_238 : vector<16xi1> to vector<16xi32>
      %broadcast_in_dim3A_240 = arith.constant true
      %broadcast_in_dim3A_241 = vector.broadcast %broadcast_in_dim3A_240 : i1 to vector<16xi1>
      %masked_cumsum3A_242 = tpu.scan <sum>, %convert_element_type3A_239 masked %broadcast_in_dim3A_241 : vector<16xi32>, vector<16xi1> -> vector<16xi32>
      %add3A_243 = vector.broadcast %scan3A_207 : i32 to vector<16xi32>
      %add3A_244 = arith.addi %add3A_243, %masked_cumsum3A_242 : vector<16xi32>
      %le3A = arith.constant 256 : i32
      %le3A_245 = vector.broadcast %le3A : i32 to vector<16xi32>
      %le3A_246 = arith.cmpi sle, %add3A_244, %le3A_245 : vector<16xi32>
      %and3A = arith.andi %eq3A_238, %le3A_246 : vector<16xi1>
      %add3A_247 = vector.broadcast %scan3A_207 : i32 to vector<16xi32>
      %add3A_248 = arith.addi %add3A_247, %masked_cumsum3A_242 : vector<16xi32>
      %sub3A_249 = arith.subi %add3A_248, %convert_element_type3A_239 : vector<16xi32>
      tpu.vector_store_idx %arg11[%sub3A_249], %get3A_210 masked %and3A : memref<272xf32, #tpu.memory_space<vmem>>[vector<16xi32>], vector<16xf32>, vector<16xi1>
      tpu.vector_store_idx %arg12[%sub3A_249], %add3A_222 masked %and3A : memref<272xi32, #tpu.memory_space<vmem>>[vector<16xi32>], vector<16xi32>, vector<16xi1>
      %reduce_max3A_250 = arith.constant true
      %reduce_max3A_251 = vector.broadcast %reduce_max3A_250 : i1 to vector<16xi1>
      %reduce_max3A_252 = arith.constant -2147483648 : i32
      %reduce_max3A_253 = vector.broadcast %reduce_max3A_252 : i32 to vector<16xi32>
      %reduce_max3A_254 = arith.xori %masked_cumsum3A_242, %reduce_max3A_253 : vector<16xi32>
      %reduce_max3A_255 = tpu.scan <max>, %reduce_max3A_254 masked %reduce_max3A_251 : vector<16xi32>, vector<16xi1> -> vector<16xi32>
      %reduce_max3A_256 = arith.xori %reduce_max3A_255, %reduce_max3A_253 : vector<16xi32>
      %reduce_max3A_257 = vector.extract %reduce_max3A_256[15] : i32 from vector<16xi32>
      %sub3A_258 = arith.constant 256 : i32
      %sub3A_259 = arith.subi %sub3A_258, %scan3A_207 : i32
      %max3A_260 = arith.constant 0 : i32
      %max3A_261 = arith.maxsi %sub3A_259, %max3A_260 : i32
      %min3A_262 = arith.minsi %reduce_max3A_257, %max3A_261 : i32
      %add3A_263 = arith.addi %scan3A_206, %reduce_max3A_236 : i32
      %add3A_264 = arith.addi %scan3A_207, %min3A_262 : i32
      %add3A_265 = arith.addi %scan3A_208, %reduce_max3A_257 : i32
      scf.yield %add3A_263, %add3A_264, %add3A_265 : i32, i32, i32
    }
    %scan3A_163 = arith.constant 3912 : i32
    %eq3A = arith.constant 0 : i32
    %eq3A_164 = vector.broadcast %eq3A : i32 to vector<16xi32>
    %eq3A_165 = arith.cmpi eq, %iota3A, %eq3A_164 : vector<16xi32>
    %jit3A = arith.constant 0 : i32
    %broadcast_in_dim3A_166 = vector.broadcast %scan3A_162#2 : i32 to vector<16xi32>
    %broadcast_in_dim3A_167 = vector.broadcast %jit3A : i32 to vector<16xi32>
    %select_n3A = arith.select %eq3A_165, %broadcast_in_dim3A_166, %broadcast_in_dim3A_167 : vector<16xi1>, vector<16xi32>
    %swap3A = arith.constant 0 : index
    %swap3A_168 = tpu.vector_load %arg15[%swap3A] {strides = array<i32>} : memref<16xi32, #tpu.memory_space<vmem>>, vector<16xi32>,
    tpu.vector_store %arg15[%swap3A], %select_n3A {strides = array<i32>} : memref<16xi32, #tpu.memory_space<vmem>>, vector<16xi32>,
    %mul3A_169 = arith.constant 16 : i32
    %mul3A_170 = arith.muli %arg1, %mul3A_169 : i32
    "tpu.region"() ({
      %run_scoped3A = tpu.sem_alloc : memref<!tpu.dma_semaphore, #tpu.memory_space<semaphore_mem>>
      %dma_start3A = tpu.memref_slice %arg19[%mul3A_170] : memref<256xi32, #tpu.memory_space<vmem_shared>> -> memref<16xi32, #tpu.memory_space<vmem_shared>>
      %dma_start3A_205 = tpu.memref_slice %arg19[%mul3A_170] : memref<256xi32, #tpu.memory_space<vmem_shared>> -> memref<16xi32, #tpu.memory_space<vmem_shared>>
      tpu.enqueue_dma source(%arg15 : memref<16xi32, #tpu.memory_space<vmem>>) target(%dma_start3A_205 : memref<16xi32, #tpu.memory_space<vmem_shared>>) target_semaphore(%run_scoped3A : memref<!tpu.dma_semaphore, #tpu.memory_space<semaphore_mem>>)
      %dma_wait3A = tpu.memref_slice %arg19[%mul3A_170] : memref<256xi32, #tpu.memory_space<vmem_shared>> -> memref<16xi32, #tpu.memory_space<vmem_shared>>
      %dma_wait3A_206 = tpu.memref_slice %arg19[%mul3A_170] : memref<256xi32, #tpu.memory_space<vmem_shared>> -> memref<16xi32, #tpu.memory_space<vmem_shared>>
      tpu.wait_dma2 semaphore(%run_scoped3A : memref<!tpu.dma_semaphore, #tpu.memory_space<semaphore_mem>>) src(%arg15 : memref<16xi32, #tpu.memory_space<vmem>>) dst(%dma_wait3A_206 : memref<16xi32, #tpu.memory_space<vmem_shared>>)
      tpu.yield
    }) : () -> ()
    %barrier3A_171 = arith.constant 0 : index
    tpu.barrier barrier_id(%barrier3A_171)
    "tpu.region"() ({
      %run_scoped3A = tpu.sem_alloc : memref<!tpu.dma_semaphore, #tpu.memory_space<semaphore_mem>>
      %dma_start3A = arith.constant 0 : i32
      %dma_start3A_205 = tpu.memref_slice %arg8[%dma_start3A] : memref<4096xi32, #tpu.memory_space<vmem>> -> memref<256xi32, #tpu.memory_space<vmem>>
      %dma_start3A_206 = arith.constant 0 : i32
      %dma_start3A_207 = tpu.memref_slice %arg8[%dma_start3A_206] : memref<4096xi32, #tpu.memory_space<vmem>> -> memref<256xi32, #tpu.memory_space<vmem>>
      tpu.enqueue_dma source(%arg19 : memref<256xi32, #tpu.memory_space<vmem_shared>>) target(%dma_start3A_207 : memref<256xi32, #tpu.memory_space<vmem>>) target_semaphore(%run_scoped3A : memref<!tpu.dma_semaphore, #tpu.memory_space<semaphore_mem>>)
      %dma_wait3A = arith.constant 0 : i32
      %dma_wait3A_208 = tpu.memref_slice %arg8[%dma_wait3A] : memref<4096xi32, #tpu.memory_space<vmem>> -> memref<256xi32, #tpu.memory_space<vmem>>
      %dma_wait3A_209 = arith.constant 0 : i32
      %dma_wait3A_210 = tpu.memref_slice %arg8[%dma_wait3A_209] : memref<4096xi32, #tpu.memory_space<vmem>> -> memref<256xi32, #tpu.memory_space<vmem>>
      tpu.wait_dma2 semaphore(%run_scoped3A : memref<!tpu.dma_semaphore, #tpu.memory_space<semaphore_mem>>) src(%arg19 : memref<256xi32, #tpu.memory_space<vmem_shared>>) dst(%dma_wait3A_210 : memref<256xi32, #tpu.memory_space<vmem>>)
      tpu.yield
    }) : () -> ()
    %scan3A_172 = arith.constant 0 : i32
    %scan3A_173 = arith.constant 0 : i32
    %scan3A_174 = arith.constant 16 : i32
    %scan3A_175 = arith.addi %scan3A_173, %scan3A_174 : i32
    %scan3A_176 = arith.constant 1 : i32
    %scan3A_177 = scf.for %scan3A_205 = %scan3A_173 to %scan3A_175 step %scan3A_176 iter_args(%scan3A_206 = %scan3A_172) -> (i32)  : i32 {
      %lt3A = arith.cmpi slt, %scan3A_205, %arg1 : i32
      %mul3A_207 = arith.constant 16 : i32
      %mul3A_208 = arith.muli %scan3A_205, %mul3A_207 : i32
      %broadcast_in_dim3A_209 = vector.broadcast %mul3A_208 : i32 to vector<16xi32>
      %gather3A_210 = tpu.vector_load_idx %arg8[%broadcast_in_dim3A_209] : memref<4096xi32, #tpu.memory_space<vmem>>[vector<16xi32>], vector<16xi32>,
      %slice3A_211 = vector.extract_strided_slice %gather3A_210 {offsets = [0], sizes = [1], strides = [1]} : vector<16xi32> to vector<1xi32>
      %squeeze3A_212 = vector.extract %slice3A_211[0] : i32 from vector<1xi32>
      %jit3A_213 = arith.constant 0 : i32
      %select_n3A_214 = arith.select %lt3A, %squeeze3A_212, %jit3A_213 : i32
      %add3A_215 = arith.addi %scan3A_206, %select_n3A_214 : i32
      scf.yield %add3A_215 : i32
    }
    %scan3A_178 = arith.constant 16 : i32
    %sub3A_179 = arith.subi %sub3A_149, %scan3A_177 : i32
    %jit3A_180 = arith.constant 0 : i32
    %max3A = arith.maxsi %jit3A_180, %sub3A_179 : i32
    %min3A = arith.minsi %scan3A_162#2, %max3A : i32
    %add3A = arith.addi %scan3A_162#0, %min3A : i32
    %mul3A_181 = arith.constant 1000000 : i32
    %mul3A_182 = vector.broadcast %mul3A_181 : i32 to vector<16xi32>
    %mul3A_183 = arith.muli %iota3A, %mul3A_182 : vector<16xi32>
    %broadcast_in_dim3A_184 = arith.constant 0.000000e+00 : f32
    %broadcast_in_dim3A_185 = vector.broadcast %broadcast_in_dim3A_184 : f32 to vector<16xf32>
    %while3A_186 = arith.constant 0 : i32
    %while3A_187 = arith.subi %add3A, %while3A_186 : i32
    %while3A_188 = arith.addi %while3A_186, %while3A_187 : i32
    %while3A_189 = arith.constant 1 : i32
    %while3A_190 = arith.divsi %while3A_187, %while3A_189 : i32
    %while3A_191 = arith.muli %while3A_190, %while3A_189 : i32
    %while3A_192 = arith.addi %while3A_186, %while3A_191 : i32
    %while3A_193 = arith.constant 1 : i32
    %while3A_194 = scf.for %while3A_205 = %while3A_186 to %while3A_192 step %while3A_193 iter_args(%while3A_206 = %broadcast_in_dim3A_185) -> (vector<16xf32>)  : i32 {
      %lt3A = arith.cmpi slt, %while3A_205, %scan3A_162#0 : i32
      %sub3A_207 = arith.subi %while3A_205, %scan3A_162#0 : i32
      %max3A_208 = arith.constant 0 : i32
      %max3A_209 = arith.maxsi %sub3A_207, %max3A_208 : i32
      %broadcast_in_dim3A_210 = vector.broadcast %while3A_205 : i32 to vector<16xi32>
      %gather3A_211 = tpu.vector_load_idx %arg9[%broadcast_in_dim3A_210] : memref<272xf32, #tpu.memory_space<vmem>>[vector<16xi32>], vector<16xf32>,
      %slice3A_212 = vector.extract_strided_slice %gather3A_211 {offsets = [0], sizes = [1], strides = [1]} : vector<16xf32> to vector<1xf32>
      %squeeze3A_213 = vector.extract %slice3A_212[0] : f32 from vector<1xf32>
      %broadcast_in_dim3A_214 = vector.broadcast %max3A_209 : i32 to vector<16xi32>
      %gather3A_215 = tpu.vector_load_idx %arg11[%broadcast_in_dim3A_214] : memref<272xf32, #tpu.memory_space<vmem>>[vector<16xi32>], vector<16xf32>,
      %slice3A_216 = vector.extract_strided_slice %gather3A_215 {offsets = [0], sizes = [1], strides = [1]} : vector<16xf32> to vector<1xf32>
      %squeeze3A_217 = vector.extract %slice3A_216[0] : f32 from vector<1xf32>
      %select_n3A_218 = arith.select %lt3A, %squeeze3A_213, %squeeze3A_217 : f32
      %broadcast_in_dim3A_219 = vector.broadcast %while3A_205 : i32 to vector<16xi32>
      %gather3A_220 = tpu.vector_load_idx %arg10[%broadcast_in_dim3A_219] : memref<272xi32, #tpu.memory_space<vmem>>[vector<16xi32>], vector<16xi32>,
      %slice3A_221 = vector.extract_strided_slice %gather3A_220 {offsets = [0], sizes = [1], strides = [1]} : vector<16xi32> to vector<1xi32>
      %squeeze3A_222 = vector.extract %slice3A_221[0] : i32 from vector<1xi32>
      %broadcast_in_dim3A_223 = vector.broadcast %max3A_209 : i32 to vector<16xi32>
      %gather3A_224 = tpu.vector_load_idx %arg12[%broadcast_in_dim3A_223] : memref<272xi32, #tpu.memory_space<vmem>>[vector<16xi32>], vector<16xi32>,
      %slice3A_225 = vector.extract_strided_slice %gather3A_224 {offsets = [0], sizes = [1], strides = [1]} : vector<16xi32> to vector<1xi32>
      %squeeze3A_226 = vector.extract %slice3A_225[0] : i32 from vector<1xi32>
      %select_n3A_227 = arith.select %lt3A, %squeeze3A_222, %squeeze3A_226 : i32
      %add3A_228 = arith.constant 0 : i32
      %add3A_229 = arith.addi %select_n3A_227, %add3A_228 : i32
      %add3A_230 = vector.broadcast %add3A_229 : i32 to vector<16xi32>
      %add3A_231 = arith.addi %add3A_230, %mul3A_183 : vector<16xi32>
      %swap3A_232 = arith.constant 0 : index
      %swap3A_233 = tpu.vector_load %arg13[%swap3A_232] {strides = array<i32>} : memref<128xi32, #tpu.memory_space<vmem>>, vector<16xi32>,
      tpu.vector_store %arg13[%swap3A_232], %add3A_231 {strides = array<i32>} : memref<128xi32, #tpu.memory_space<vmem>>, vector<16xi32>,
      %add3A_234 = arith.constant 16000000 : i32
      %add3A_235 = arith.addi %select_n3A_227, %add3A_234 : i32
      %add3A_236 = vector.broadcast %add3A_235 : i32 to vector<16xi32>
      %add3A_237 = arith.addi %add3A_236, %mul3A_183 : vector<16xi32>
      %swap3A_238 = arith.constant 16 : index
      %swap3A_239 = tpu.vector_load %arg13[%swap3A_238] {strides = array<i32>} : memref<128xi32, #tpu.memory_space<vmem>>, vector<16xi32>,
      tpu.vector_store %arg13[%swap3A_238], %add3A_237 {strides = array<i32>} : memref<128xi32, #tpu.memory_space<vmem>>, vector<16xi32>,
      %add3A_240 = arith.constant 32000000 : i32
      %add3A_241 = arith.addi %select_n3A_227, %add3A_240 : i32
      %add3A_242 = vector.broadcast %add3A_241 : i32 to vector<16xi32>
      %add3A_243 = arith.addi %add3A_242, %mul3A_183 : vector<16xi32>
      %swap3A_244 = arith.constant 32 : index
      %swap3A_245 = tpu.vector_load %arg13[%swap3A_244] {strides = array<i32>} : memref<128xi32, #tpu.memory_space<vmem>>, vector<16xi32>,
      tpu.vector_store %arg13[%swap3A_244], %add3A_243 {strides = array<i32>} : memref<128xi32, #tpu.memory_space<vmem>>, vector<16xi32>,
      %add3A_246 = arith.constant 48000000 : i32
      %add3A_247 = arith.addi %select_n3A_227, %add3A_246 : i32
      %add3A_248 = vector.broadcast %add3A_247 : i32 to vector<16xi32>
      %add3A_249 = arith.addi %add3A_248, %mul3A_183 : vector<16xi32>
      %swap3A_250 = arith.constant 48 : index
      %swap3A_251 = tpu.vector_load %arg13[%swap3A_250] {strides = array<i32>} : memref<128xi32, #tpu.memory_space<vmem>>, vector<16xi32>,
      tpu.vector_store %arg13[%swap3A_250], %add3A_249 {strides = array<i32>} : memref<128xi32, #tpu.memory_space<vmem>>, vector<16xi32>,
      %add3A_252 = arith.constant 64000000 : i32
      %add3A_253 = arith.addi %select_n3A_227, %add3A_252 : i32
      %add3A_254 = vector.broadcast %add3A_253 : i32 to vector<16xi32>
      %add3A_255 = arith.addi %add3A_254, %mul3A_183 : vector<16xi32>
      %swap3A_256 = arith.constant 64 : index
      %swap3A_257 = tpu.vector_load %arg13[%swap3A_256] {strides = array<i32>} : memref<128xi32, #tpu.memory_space<vmem>>, vector<16xi32>,
      tpu.vector_store %arg13[%swap3A_256], %add3A_255 {strides = array<i32>} : memref<128xi32, #tpu.memory_space<vmem>>, vector<16xi32>,
      %add3A_258 = arith.constant 80000000 : i32
      %add3A_259 = arith.addi %select_n3A_227, %add3A_258 : i32
      %add3A_260 = vector.broadcast %add3A_259 : i32 to vector<16xi32>
      %add3A_261 = arith.addi %add3A_260, %mul3A_183 : vector<16xi32>
      %swap3A_262 = arith.constant 80 : index
      %swap3A_263 = tpu.vector_load %arg13[%swap3A_262] {strides = array<i32>} : memref<128xi32, #tpu.memory_space<vmem>>, vector<16xi32>,
      tpu.vector_store %arg13[%swap3A_262], %add3A_261 {strides = array<i32>} : memref<128xi32, #tpu.memory_space<vmem>>, vector<16xi32>,
      %add3A_264 = arith.constant 96000000 : i32
      %add3A_265 = arith.addi %select_n3A_227, %add3A_264 : i32
      %add3A_266 = vector.broadcast %add3A_265 : i32 to vector<16xi32>
      %add3A_267 = arith.addi %add3A_266, %mul3A_183 : vector<16xi32>
      %swap3A_268 = arith.constant 96 : index
      %swap3A_269 = tpu.vector_load %arg13[%swap3A_268] {strides = array<i32>} : memref<128xi32, #tpu.memory_space<vmem>>, vector<16xi32>,
      tpu.vector_store %arg13[%swap3A_268], %add3A_267 {strides = array<i32>} : memref<128xi32, #tpu.memory_space<vmem>>, vector<16xi32>,
      %add3A_270 = arith.constant 112000000 : i32
      %add3A_271 = arith.addi %select_n3A_227, %add3A_270 : i32
      %add3A_272 = vector.broadcast %add3A_271 : i32 to vector<16xi32>
      %add3A_273 = arith.addi %add3A_272, %mul3A_183 : vector<16xi32>
      %swap3A_274 = arith.constant 112 : index
      %swap3A_275 = tpu.vector_load %arg13[%swap3A_274] {strides = array<i32>} : memref<128xi32, #tpu.memory_space<vmem>>, vector<16xi32>,
      tpu.vector_store %arg13[%swap3A_274], %add3A_273 {strides = array<i32>} : memref<128xi32, #tpu.memory_space<vmem>>, vector<16xi32>,
      %dma_start3A = arith.constant 0 : i32
      %dma_start3A_276 = tpu.memref_slice %arg2[%dma_start3A] : memref<128000000xf32, #tpu.memory_space<hbm>> -> memref<128000000xf32, #tpu.memory_space<hbm>>
      tpu.enqueue_indirect_dma source(%dma_start3A_276 : memref<128000000xf32, #tpu.memory_space<hbm>>) target(%arg14 : memref<128xf32, #tpu.memory_space<vmem>>) offsets(%arg13 : memref<128xi32, #tpu.memory_space<vmem>>) semaphore(%arg21 : memref<!tpu.dma_semaphore, #tpu.memory_space<semaphore_mem>>)
      %dma_wait3A = arith.constant 0 : i32
      %dma_wait3A_277 = tpu.memref_slice %arg2[%dma_wait3A] : memref<128000000xf32, #tpu.memory_space<hbm>> -> memref<128000000xf32, #tpu.memory_space<hbm>>
      tpu.wait_indirect_dma semaphore(%arg21 : memref<!tpu.dma_semaphore, #tpu.memory_space<semaphore_mem>>) src(%dma_wait3A_277 : memref<128000000xf32, #tpu.memory_space<hbm>>) dst(%arg14 : memref<128xf32, #tpu.memory_space<vmem>>)
      %broadcast_in_dim3A_278 = vector.broadcast %select_n3A_218 : f32 to vector<16xf32>
      %get3A = arith.constant 0 : index
      %get3A_279 = tpu.vector_load %arg14[%get3A] {strides = array<i32>} : memref<128xf32, #tpu.memory_space<vmem>>, vector<16xf32>,
      %sub3A_280 = arith.subf %get3A_279, %broadcast_in_dim3A_278 : vector<16xf32>
      %mul3A_281 = arith.mulf %sub3A_280, %sub3A_280 : vector<16xf32>
      %add3A_282 = arith.addf %while3A_206, %mul3A_281 : vector<16xf32>
      %get3A_283 = arith.constant 16 : index
      %get3A_284 = tpu.vector_load %arg14[%get3A_283] {strides = array<i32>} : memref<128xf32, #tpu.memory_space<vmem>>, vector<16xf32>,
      %sub3A_285 = arith.subf %get3A_284, %broadcast_in_dim3A_278 : vector<16xf32>
      %mul3A_286 = arith.mulf %sub3A_285, %sub3A_285 : vector<16xf32>
      %add3A_287 = arith.addf %add3A_282, %mul3A_286 : vector<16xf32>
      %get3A_288 = arith.constant 32 : index
      %get3A_289 = tpu.vector_load %arg14[%get3A_288] {strides = array<i32>} : memref<128xf32, #tpu.memory_space<vmem>>, vector<16xf32>,
      %sub3A_290 = arith.subf %get3A_289, %broadcast_in_dim3A_278 : vector<16xf32>
      %mul3A_291 = arith.mulf %sub3A_290, %sub3A_290 : vector<16xf32>
      %add3A_292 = arith.addf %add3A_287, %mul3A_291 : vector<16xf32>
      %get3A_293 = arith.constant 48 : index
      %get3A_294 = tpu.vector_load %arg14[%get3A_293] {strides = array<i32>} : memref<128xf32, #tpu.memory_space<vmem>>, vector<16xf32>,
      %sub3A_295 = arith.subf %get3A_294, %broadcast_in_dim3A_278 : vector<16xf32>
      %mul3A_296 = arith.mulf %sub3A_295, %sub3A_295 : vector<16xf32>
      %add3A_297 = arith.addf %add3A_292, %mul3A_296 : vector<16xf32>
      %get3A_298 = arith.constant 64 : index
      %get3A_299 = tpu.vector_load %arg14[%get3A_298] {strides = array<i32>} : memref<128xf32, #tpu.memory_space<vmem>>, vector<16xf32>,
      %sub3A_300 = arith.subf %get3A_299, %broadcast_in_dim3A_278 : vector<16xf32>
      %mul3A_301 = arith.mulf %sub3A_300, %sub3A_300 : vector<16xf32>
      %add3A_302 = arith.addf %add3A_297, %mul3A_301 : vector<16xf32>
      %get3A_303 = arith.constant 80 : index
      %get3A_304 = tpu.vector_load %arg14[%get3A_303] {strides = array<i32>} : memref<128xf32, #tpu.memory_space<vmem>>, vector<16xf32>,
      %sub3A_305 = arith.subf %get3A_304, %broadcast_in_dim3A_278 : vector<16xf32>
      %mul3A_306 = arith.mulf %sub3A_305, %sub3A_305 : vector<16xf32>
      %add3A_307 = arith.addf %add3A_302, %mul3A_306 : vector<16xf32>
      %get3A_308 = arith.constant 96 : index
      %get3A_309 = tpu.vector_load %arg14[%get3A_308] {strides = array<i32>} : memref<128xf32, #tpu.memory_space<vmem>>, vector<16xf32>,
      %sub3A_310 = arith.subf %get3A_309, %broadcast_in_dim3A_278 : vector<16xf32>
      %mul3A_311 = arith.mulf %sub3A_310, %sub3A_310 : vector<16xf32>
      %add3A_312 = arith.addf %add3A_307, %mul3A_311 : vector<16xf32>
      %get3A_313 = arith.constant 112 : index
      %get3A_314 = tpu.vector_load %arg14[%get3A_313] {strides = array<i32>} : memref<128xf32, #tpu.memory_space<vmem>>, vector<16xf32>,
      %sub3A_315 = arith.subf %get3A_314, %broadcast_in_dim3A_278 : vector<16xf32>
      %mul3A_316 = arith.mulf %sub3A_315, %sub3A_315 : vector<16xf32>
      %add3A_317 = arith.addf %add3A_312, %mul3A_316 : vector<16xf32>
      scf.yield %add3A_317 : vector<16xf32>
    }
    %while3A_195 = arith.constant 1 : i32
    %while3A_196 = scf.for %while3A_205 = %while3A_192 to %while3A_188 step %while3A_195 iter_args(%while3A_206 = %while3A_194) -> (vector<16xf32>)  : i32 {
      %lt3A = arith.cmpi slt, %while3A_205, %scan3A_162#0 : i32
      %sub3A_207 = arith.subi %while3A_205, %scan3A_162#0 : i32
      %max3A_208 = arith.constant 0 : i32
      %max3A_209 = arith.maxsi %sub3A_207, %max3A_208 : i32
      %broadcast_in_dim3A_210 = vector.broadcast %while3A_205 : i32 to vector<16xi32>
      %gather3A_211 = tpu.vector_load_idx %arg9[%broadcast_in_dim3A_210] : memref<272xf32, #tpu.memory_space<vmem>>[vector<16xi32>], vector<16xf32>,
      %slice3A_212 = vector.extract_strided_slice %gather3A_211 {offsets = [0], sizes = [1], strides = [1]} : vector<16xf32> to vector<1xf32>
      %squeeze3A_213 = vector.extract %slice3A_212[0] : f32 from vector<1xf32>
      %broadcast_in_dim3A_214 = vector.broadcast %max3A_209 : i32 to vector<16xi32>
      %gather3A_215 = tpu.vector_load_idx %arg11[%broadcast_in_dim3A_214] : memref<272xf32, #tpu.memory_space<vmem>>[vector<16xi32>], vector<16xf32>,
      %slice3A_216 = vector.extract_strided_slice %gather3A_215 {offsets = [0], sizes = [1], strides = [1]} : vector<16xf32> to vector<1xf32>
      %squeeze3A_217 = vector.extract %slice3A_216[0] : f32 from vector<1xf32>
      %select_n3A_218 = arith.select %lt3A, %squeeze3A_213, %squeeze3A_217 : f32
      %broadcast_in_dim3A_219 = vector.broadcast %while3A_205 : i32 to vector<16xi32>
      %gather3A_220 = tpu.vector_load_idx %arg10[%broadcast_in_dim3A_219] : memref<272xi32, #tpu.memory_space<vmem>>[vector<16xi32>], vector<16xi32>,
      %slice3A_221 = vector.extract_strided_slice %gather3A_220 {offsets = [0], sizes = [1], strides = [1]} : vector<16xi32> to vector<1xi32>
      %squeeze3A_222 = vector.extract %slice3A_221[0] : i32 from vector<1xi32>
      %broadcast_in_dim3A_223 = vector.broadcast %max3A_209 : i32 to vector<16xi32>
      %gather3A_224 = tpu.vector_load_idx %arg12[%broadcast_in_dim3A_223] : memref<272xi32, #tpu.memory_space<vmem>>[vector<16xi32>], vector<16xi32>,
      %slice3A_225 = vector.extract_strided_slice %gather3A_224 {offsets = [0], sizes = [1], strides = [1]} : vector<16xi32> to vector<1xi32>
      %squeeze3A_226 = vector.extract %slice3A_225[0] : i32 from vector<1xi32>
      %select_n3A_227 = arith.select %lt3A, %squeeze3A_222, %squeeze3A_226 : i32
      %add3A_228 = arith.constant 0 : i32
      %add3A_229 = arith.addi %select_n3A_227, %add3A_228 : i32
      %add3A_230 = vector.broadcast %add3A_229 : i32 to vector<16xi32>
      %add3A_231 = arith.addi %add3A_230, %mul3A_183 : vector<16xi32>
      %swap3A_232 = arith.constant 0 : index
      %swap3A_233 = tpu.vector_load %arg13[%swap3A_232] {strides = array<i32>} : memref<128xi32, #tpu.memory_space<vmem>>, vector<16xi32>,
      tpu.vector_store %arg13[%swap3A_232], %add3A_231 {strides = array<i32>} : memref<128xi32, #tpu.memory_space<vmem>>, vector<16xi32>,
      %add3A_234 = arith.constant 16000000 : i32
      %add3A_235 = arith.addi %select_n3A_227, %add3A_234 : i32
      %add3A_236 = vector.broadcast %add3A_235 : i32 to vector<16xi32>
      %add3A_237 = arith.addi %add3A_236, %mul3A_183 : vector<16xi32>
      %swap3A_238 = arith.constant 16 : index
      %swap3A_239 = tpu.vector_load %arg13[%swap3A_238] {strides = array<i32>} : memref<128xi32, #tpu.memory_space<vmem>>, vector<16xi32>,
      tpu.vector_store %arg13[%swap3A_238], %add3A_237 {strides = array<i32>} : memref<128xi32, #tpu.memory_space<vmem>>, vector<16xi32>,
      %add3A_240 = arith.constant 32000000 : i32
      %add3A_241 = arith.addi %select_n3A_227, %add3A_240 : i32
      %add3A_242 = vector.broadcast %add3A_241 : i32 to vector<16xi32>
      %add3A_243 = arith.addi %add3A_242, %mul3A_183 : vector<16xi32>
      %swap3A_244 = arith.constant 32 : index
      %swap3A_245 = tpu.vector_load %arg13[%swap3A_244] {strides = array<i32>} : memref<128xi32, #tpu.memory_space<vmem>>, vector<16xi32>,
      tpu.vector_store %arg13[%swap3A_244], %add3A_243 {strides = array<i32>} : memref<128xi32, #tpu.memory_space<vmem>>, vector<16xi32>,
      %add3A_246 = arith.constant 48000000 : i32
      %add3A_247 = arith.addi %select_n3A_227, %add3A_246 : i32
      %add3A_248 = vector.broadcast %add3A_247 : i32 to vector<16xi32>
      %add3A_249 = arith.addi %add3A_248, %mul3A_183 : vector<16xi32>
      %swap3A_250 = arith.constant 48 : index
      %swap3A_251 = tpu.vector_load %arg13[%swap3A_250] {strides = array<i32>} : memref<128xi32, #tpu.memory_space<vmem>>, vector<16xi32>,
      tpu.vector_store %arg13[%swap3A_250], %add3A_249 {strides = array<i32>} : memref<128xi32, #tpu.memory_space<vmem>>, vector<16xi32>,
      %add3A_252 = arith.constant 64000000 : i32
      %add3A_253 = arith.addi %select_n3A_227, %add3A_252 : i32
      %add3A_254 = vector.broadcast %add3A_253 : i32 to vector<16xi32>
      %add3A_255 = arith.addi %add3A_254, %mul3A_183 : vector<16xi32>
      %swap3A_256 = arith.constant 64 : index
      %swap3A_257 = tpu.vector_load %arg13[%swap3A_256] {strides = array<i32>} : memref<128xi32, #tpu.memory_space<vmem>>, vector<16xi32>,
      tpu.vector_store %arg13[%swap3A_256], %add3A_255 {strides = array<i32>} : memref<128xi32, #tpu.memory_space<vmem>>, vector<16xi32>,
      %add3A_258 = arith.constant 80000000 : i32
      %add3A_259 = arith.addi %select_n3A_227, %add3A_258 : i32
      %add3A_260 = vector.broadcast %add3A_259 : i32 to vector<16xi32>
      %add3A_261 = arith.addi %add3A_260, %mul3A_183 : vector<16xi32>
      %swap3A_262 = arith.constant 80 : index
      %swap3A_263 = tpu.vector_load %arg13[%swap3A_262] {strides = array<i32>} : memref<128xi32, #tpu.memory_space<vmem>>, vector<16xi32>,
      tpu.vector_store %arg13[%swap3A_262], %add3A_261 {strides = array<i32>} : memref<128xi32, #tpu.memory_space<vmem>>, vector<16xi32>,
      %add3A_264 = arith.constant 96000000 : i32
      %add3A_265 = arith.addi %select_n3A_227, %add3A_264 : i32
      %add3A_266 = vector.broadcast %add3A_265 : i32 to vector<16xi32>
      %add3A_267 = arith.addi %add3A_266, %mul3A_183 : vector<16xi32>
      %swap3A_268 = arith.constant 96 : index
      %swap3A_269 = tpu.vector_load %arg13[%swap3A_268] {strides = array<i32>} : memref<128xi32, #tpu.memory_space<vmem>>, vector<16xi32>,
      tpu.vector_store %arg13[%swap3A_268], %add3A_267 {strides = array<i32>} : memref<128xi32, #tpu.memory_space<vmem>>, vector<16xi32>,
      %add3A_270 = arith.constant 112000000 : i32
      %add3A_271 = arith.addi %select_n3A_227, %add3A_270 : i32
      %add3A_272 = vector.broadcast %add3A_271 : i32 to vector<16xi32>
      %add3A_273 = arith.addi %add3A_272, %mul3A_183 : vector<16xi32>
      %swap3A_274 = arith.constant 112 : index
      %swap3A_275 = tpu.vector_load %arg13[%swap3A_274] {strides = array<i32>} : memref<128xi32, #tpu.memory_space<vmem>>, vector<16xi32>,
      tpu.vector_store %arg13[%swap3A_274], %add3A_273 {strides = array<i32>} : memref<128xi32, #tpu.memory_space<vmem>>, vector<16xi32>,
      %dma_start3A = arith.constant 0 : i32
      %dma_start3A_276 = tpu.memref_slice %arg2[%dma_start3A] : memref<128000000xf32, #tpu.memory_space<hbm>> -> memref<128000000xf32, #tpu.memory_space<hbm>>
      tpu.enqueue_indirect_dma source(%dma_start3A_276 : memref<128000000xf32, #tpu.memory_space<hbm>>) target(%arg14 : memref<128xf32, #tpu.memory_space<vmem>>) offsets(%arg13 : memref<128xi32, #tpu.memory_space<vmem>>) semaphore(%arg21 : memref<!tpu.dma_semaphore, #tpu.memory_space<semaphore_mem>>)
      %dma_wait3A = arith.constant 0 : i32
      %dma_wait3A_277 = tpu.memref_slice %arg2[%dma_wait3A] : memref<128000000xf32, #tpu.memory_space<hbm>> -> memref<128000000xf32, #tpu.memory_space<hbm>>
      tpu.wait_indirect_dma semaphore(%arg21 : memref<!tpu.dma_semaphore, #tpu.memory_space<semaphore_mem>>) src(%dma_wait3A_277 : memref<128000000xf32, #tpu.memory_space<hbm>>) dst(%arg14 : memref<128xf32, #tpu.memory_space<vmem>>)
      %broadcast_in_dim3A_278 = vector.broadcast %select_n3A_218 : f32 to vector<16xf32>
      %get3A = arith.constant 0 : index
      %get3A_279 = tpu.vector_load %arg14[%get3A] {strides = array<i32>} : memref<128xf32, #tpu.memory_space<vmem>>, vector<16xf32>,
      %sub3A_280 = arith.subf %get3A_279, %broadcast_in_dim3A_278 : vector<16xf32>
      %mul3A_281 = arith.mulf %sub3A_280, %sub3A_280 : vector<16xf32>
      %add3A_282 = arith.addf %while3A_206, %mul3A_281 : vector<16xf32>
      %get3A_283 = arith.constant 16 : index
      %get3A_284 = tpu.vector_load %arg14[%get3A_283] {strides = array<i32>} : memref<128xf32, #tpu.memory_space<vmem>>, vector<16xf32>,
      %sub3A_285 = arith.subf %get3A_284, %broadcast_in_dim3A_278 : vector<16xf32>
      %mul3A_286 = arith.mulf %sub3A_285, %sub3A_285 : vector<16xf32>
      %add3A_287 = arith.addf %add3A_282, %mul3A_286 : vector<16xf32>
      %get3A_288 = arith.constant 32 : index
      %get3A_289 = tpu.vector_load %arg14[%get3A_288] {strides = array<i32>} : memref<128xf32, #tpu.memory_space<vmem>>, vector<16xf32>,
      %sub3A_290 = arith.subf %get3A_289, %broadcast_in_dim3A_278 : vector<16xf32>
      %mul3A_291 = arith.mulf %sub3A_290, %sub3A_290 : vector<16xf32>
      %add3A_292 = arith.addf %add3A_287, %mul3A_291 : vector<16xf32>
      %get3A_293 = arith.constant 48 : index
      %get3A_294 = tpu.vector_load %arg14[%get3A_293] {strides = array<i32>} : memref<128xf32, #tpu.memory_space<vmem>>, vector<16xf32>,
      %sub3A_295 = arith.subf %get3A_294, %broadcast_in_dim3A_278 : vector<16xf32>
      %mul3A_296 = arith.mulf %sub3A_295, %sub3A_295 : vector<16xf32>
      %add3A_297 = arith.addf %add3A_292, %mul3A_296 : vector<16xf32>
      %get3A_298 = arith.constant 64 : index
      %get3A_299 = tpu.vector_load %arg14[%get3A_298] {strides = array<i32>} : memref<128xf32, #tpu.memory_space<vmem>>, vector<16xf32>,
      %sub3A_300 = arith.subf %get3A_299, %broadcast_in_dim3A_278 : vector<16xf32>
      %mul3A_301 = arith.mulf %sub3A_300, %sub3A_300 : vector<16xf32>
      %add3A_302 = arith.addf %add3A_297, %mul3A_301 : vector<16xf32>
      %get3A_303 = arith.constant 80 : index
      %get3A_304 = tpu.vector_load %arg14[%get3A_303] {strides = array<i32>} : memref<128xf32, #tpu.memory_space<vmem>>, vector<16xf32>,
      %sub3A_305 = arith.subf %get3A_304, %broadcast_in_dim3A_278 : vector<16xf32>
      %mul3A_306 = arith.mulf %sub3A_305, %sub3A_305 : vector<16xf32>
      %add3A_307 = arith.addf %add3A_302, %mul3A_306 : vector<16xf32>
      %get3A_308 = arith.constant 96 : index
      %get3A_309 = tpu.vector_load %arg14[%get3A_308] {strides = array<i32>} : memref<128xf32, #tpu.memory_space<vmem>>, vector<16xf32>,
      %sub3A_310 = arith.subf %get3A_309, %broadcast_in_dim3A_278 : vector<16xf32>
      %mul3A_311 = arith.mulf %sub3A_310, %sub3A_310 : vector<16xf32>
      %add3A_312 = arith.addf %add3A_307, %mul3A_311 : vector<16xf32>
      %get3A_313 = arith.constant 112 : index
      %get3A_314 = tpu.vector_load %arg14[%get3A_313] {strides = array<i32>} : memref<128xf32, #tpu.memory_space<vmem>>, vector<16xf32>,
      %sub3A_315 = arith.subf %get3A_314, %broadcast_in_dim3A_278 : vector<16xf32>
      %mul3A_316 = arith.mulf %sub3A_315, %sub3A_315 : vector<16xf32>
      %add3A_317 = arith.addf %add3A_312, %mul3A_316 : vector<16xf32>
      scf.yield %add3A_317 : vector<16xf32>
    }
    %swap3A_197 = arith.constant 0 : index
    %swap3A_198 = tpu.vector_load %arg17[%swap3A_197] {strides = array<i32>} : memref<16xf32, #tpu.memory_space<vmem>>, vector<16xf32>,
    tpu.vector_store %arg17[%swap3A_197], %while3A_196 {strides = array<i32>} : memref<16xf32, #tpu.memory_space<vmem>>, vector<16xf32>,
    %mul3A_199 = arith.constant 16 : i32
    %mul3A_200 = arith.muli %arg1, %mul3A_199 : i32
    "tpu.region"() ({
      %run_scoped3A = tpu.sem_alloc : memref<!tpu.dma_semaphore, #tpu.memory_space<semaphore_mem>>
      %dma_start3A = tpu.memref_slice %arg20[%mul3A_200] : memref<256xf32, #tpu.memory_space<vmem_shared>> -> memref<16xf32, #tpu.memory_space<vmem_shared>>
      %dma_start3A_205 = tpu.memref_slice %arg20[%mul3A_200] : memref<256xf32, #tpu.memory_space<vmem_shared>> -> memref<16xf32, #tpu.memory_space<vmem_shared>>
      tpu.enqueue_dma source(%arg17 : memref<16xf32, #tpu.memory_space<vmem>>) target(%dma_start3A_205 : memref<16xf32, #tpu.memory_space<vmem_shared>>) target_semaphore(%run_scoped3A : memref<!tpu.dma_semaphore, #tpu.memory_space<semaphore_mem>>)
      %dma_wait3A = tpu.memref_slice %arg20[%mul3A_200] : memref<256xf32, #tpu.memory_space<vmem_shared>> -> memref<16xf32, #tpu.memory_space<vmem_shared>>
      %dma_wait3A_206 = tpu.memref_slice %arg20[%mul3A_200] : memref<256xf32, #tpu.memory_space<vmem_shared>> -> memref<16xf32, #tpu.memory_space<vmem_shared>>
      tpu.wait_dma2 semaphore(%run_scoped3A : memref<!tpu.dma_semaphore, #tpu.memory_space<semaphore_mem>>) src(%arg17 : memref<16xf32, #tpu.memory_space<vmem>>) dst(%dma_wait3A_206 : memref<16xf32, #tpu.memory_space<vmem_shared>>)
      tpu.yield
    }) : () -> ()
    %barrier3A_201 = arith.constant 0 : index
    tpu.barrier barrier_id(%barrier3A_201)
    %eq3A_202 = arith.constant 0 : i32
    %eq3A_203 = arith.cmpi eq, %arg1, %eq3A_202 : i32
    %convert_element_type3A = arith.extui %eq3A_203 : i1 to i32
    %cond3A = arith.constant 0 : i32
    %cond3A_204 = arith.cmpi ne, %convert_element_type3A, %cond3A : i32
    scf.if %cond3A_204 {
      "tpu.region"() ({
        %run_scoped3A = tpu.sem_alloc : memref<!tpu.dma_semaphore, #tpu.memory_space<semaphore_mem>>
        tpu.enqueue_dma source(%arg20 : memref<256xf32, #tpu.memory_space<vmem_shared>>) target(%arg16 : memref<256xf32, #tpu.memory_space<vmem>>) target_semaphore(%run_scoped3A : memref<!tpu.dma_semaphore, #tpu.memory_space<semaphore_mem>>)
        tpu.wait_dma2 semaphore(%run_scoped3A : memref<!tpu.dma_semaphore, #tpu.memory_space<semaphore_mem>>) src(%arg20 : memref<256xf32, #tpu.memory_space<vmem_shared>>) dst(%arg16 : memref<256xf32, #tpu.memory_space<vmem>>)
        tpu.yield
      }) : () -> ()
      %broadcast_in_dim3A_205 = arith.constant 0.000000e+00 : f32
      %broadcast_in_dim3A_206 = vector.broadcast %broadcast_in_dim3A_205 : f32 to vector<16xf32>
      %scan3A_207 = arith.constant 0 : i32
      %scan3A_208 = arith.constant 16 : i32
      %scan3A_209 = arith.addi %scan3A_207, %scan3A_208 : i32
      %scan3A_210 = arith.constant 1 : i32
      %scan3A_211 = scf.for %scan3A_221 = %scan3A_207 to %scan3A_209 step %scan3A_210 iter_args(%scan3A_222 = %broadcast_in_dim3A_206) -> (vector<16xf32>)  : i32 {
        %mul3A_223 = arith.constant 16 : i32
        %mul3A_224 = arith.muli %scan3A_221, %mul3A_223 : i32
        %get3A = arith.index_cast %mul3A_224 : i32 to index
        %get3A_225 = tpu.vector_load %arg16[%get3A] {strides = array<i32>} : memref<256xf32, #tpu.memory_space<vmem>>, vector<16xf32>,
        %add3A_226 = arith.addf %scan3A_222, %get3A_225 : vector<16xf32>
        scf.yield %add3A_226 : vector<16xf32>
      }
      %scan3A_212 = arith.constant 16 : i32
      %reduce_sum3A = arith.constant true
      %reduce_sum3A_213 = vector.broadcast %reduce_sum3A : i1 to vector<16xi1>
      %reduce_sum3A_214 = tpu.scan <sum>, %scan3A_211 masked %reduce_sum3A_213 : vector<16xf32>, vector<16xi1> -> vector<16xf32>
      %reduce_sum3A_215 = vector.extract %reduce_sum3A_214[15] : f32 from vector<16xf32>
      %mul3A_216 = arith.constant 3.05175781E-5 : f32
      %mul3A_217 = arith.mulf %reduce_sum3A_215, %mul3A_216 : f32
      %broadcast_in_dim3A_218 = vector.broadcast %mul3A_217 : f32 to vector<16xf32>
      %swap3A_219 = arith.constant 0 : index
      %swap3A_220 = tpu.vector_load %arg17[%swap3A_219] {strides = array<i32>} : memref<16xf32, #tpu.memory_space<vmem>>, vector<16xf32>,
      tpu.vector_store %arg17[%swap3A_219], %broadcast_in_dim3A_218 {strides = array<i32>} : memref<16xf32, #tpu.memory_space<vmem>>, vector<16xf32>,
      "tpu.region"() ({
        %run_scoped3A = tpu.sem_alloc : memref<!tpu.dma_semaphore, #tpu.memory_space<semaphore_mem>>
        tpu.enqueue_dma source(%arg17 : memref<16xf32, #tpu.memory_space<vmem>>) target(%arg4 : memref<16xf32, #tpu.memory_space<hbm>>) target_semaphore(%run_scoped3A : memref<!tpu.dma_semaphore, #tpu.memory_space<semaphore_mem>>)
        tpu.wait_dma2 semaphore(%run_scoped3A : memref<!tpu.dma_semaphore, #tpu.memory_space<semaphore_mem>>) src(%arg17 : memref<16xf32, #tpu.memory_space<vmem>>) dst(%arg4 : memref<16xf32, #tpu.memory_space<hbm>>)
        tpu.yield
      }) : () -> ()
    } else {
    }
    return
  }
}

</mosaic_0001>

<sc_bundles>
// kernel: kernel.3.cloned.1.call-start
scs
__scs_entry_jumppad:
0x0: {  	(pc) =	sbr.rel $0x88, $3  }
0x1: {  	(tag) =	ssettag $0x0;
	lr =	simm.s32 $0x1  }
0x2: {  	[smem:$0x3F9F] =	sst lr;
	_ =	strace $0xD0000000  }
0x3: {  	_ = 	snop  }
0x4: {  	_ = 	snop  }
0x5: {  	_ = 	snop  }
0x6: {  	_ = 	snop  }
0x7: {  	_ = 	snop  }
__scs_overlays_trampoline_lowered:
0x8: {  	[smem:$0x3FAE] =	sst s0  }
0x9: {  	[smem:$0x3FAF] =	sst s1  }
0xa: {  	[smem:$0x3FB0] =	sst s2  }
0xb: {  	[smem:$0x3FB1] =	sst s3  }
0xc: {  	[smem:$0x3FB2] =	sst s4  }
0xd: {  	[smem:$0x3FB3] =	sst s5  }
0xe: {  	[smem:$0x3FB4] =	sst s6  }
0xf: {  	[smem:$0x3FB5] =	sst s7  }
0x10: {  	[smem:$0x3FB6] =	sst s8  }
0x11: {  	[smem:$0x3FB7] =	sst s9;
	s0 =	simm.s32 @!p0 $0x0  }
0x12: {  	s1 =	sld [smem:$0x3F9D];
	s0 =	simm.s32 @p0 $0x1  }
0x13: {  	[smem:$0x3FB8] =	sst s0;
	s0 =	simm.s32 @!p1 $0x0  }
0x14: {  	s2 =	sld [smem:$0x3F9C];
	s0 =	simm.s32 @p1 $0x1  }
0x15: {  	[smem:$0x3FB9] =	sst s0;
	s0 =	simm.s32 @!p2 $0x0  }
0x16: {  	s3 =	sld [smem:$0x3FDB];
	s0 =	simm.s32 @p2 $0x1  }
0x17: {  	s4 =	simm.s32 $0x1BF5;
	[smem:$0x3FBB] =	sst s0  }
0x18: {  	s0 =	sld [smem:$0x3F9E];
	_ =	swait.ge [sflag:s4], $0x0  }
0x19: {  	s7 =	sld [smem:$0x3F9F]  }
0x1a: {  	s8 =	sadd.s32 $0xFFFFE003, lr  }
0x1b: {  	s9 =	sadd.s32 $0xFFFFFEF7, lr;
	s5 =	simm.s32 $0xFFFFFFFF;
	p2 =	slt.u32 s8, $0xFFFFF086  }
0x1c: {  	p1 =	slt.u32 s9, $0xF7A;
	s5 =	simm.s32 @!p2 $0x0  }
0x1d: {  	s5 =	simm.s32 @p1 $0x1;
	p0 =	seq.s32 s7, s2  }
0x1e: {  	s7 =	smul.u32 @!p0 $0xF7A, s2;
	p2 =	seq.s32 @!p0 s5, $0x0  }
0x1f: {  	s9 =	smul.u32 $0xF7A, s1;
	s8 =	simm.s32 @!p0 $0x1BF5;
	p2 =	por !p2, p0  }
0x20: {  	[sflag:s8] =	ssyncset.s32 @!p0 $0xFFFFF086;
	s6 =	sadd.s32 @!p0 s3, s7;
	s7 =	simm.s32 @!p0 $0x108  }
0x21: {  	s3 =	sadd.s32 s3, s9;
	s6 =	sadd.s32 @!p0 $0x88, s6;
	s7 =	simm.s32 @p2 $0x1082  }
0x22: {  	[simem:s7], [sflag:s8] =	dma.local @!p0 [hbm:s6], $0xF7A  }
0x23: {  	s9 =	sor.u32 $0xD0000000, s2;
	s6 =	simm.s32 $0x108;
	_ =	swait.ge @!p0 [sflag:s8], $0x0  }
0x24: {  	s3 =	sadd.s32 $0x88, s3;
	s6 =	simm.s32 @!p1 $0x1082;
	[sflag:s4] =	ssyncset.s32 $0xFFFFF086  }
0x25: {  	[simem:s6], [sflag:s4] =	dma.local [hbm:s3], $0xF7A  }
0x26: {  	[smem:$0x3F9F] =	sst s1;
	(tag) =	ssettag s2;
	_ =	strace s9  }
0x27: {  	s1 =	sld [smem:$0x3FAF]  }
0x28: {  	s2 =	sld [smem:$0x3FB0]  }
0x29: {  	s4 =	sld [smem:$0x3FB2]  }
0x2a: {  	p0 =	seq.s32 s5, $0x0;
	s5 =	sld [smem:$0x3FB3]  }
0x2b: {  	s6 =	sld [smem:$0x3FB4]  }
0x2c: {  	s7 =	sld [smem:$0x3FB5]  }
0x2d: {  	s3 =	simm.s32 $0x108;
	s8 =	sld [smem:$0x3FB6]  }
0x2e: {  	s3 =	simm.s32 @!p0 $0x1082;
	s9 =	sld [smem:$0x3FB7]  }
0x2f: {  	lr =	sadd.s32 s0, s3;
	s0 =	sld [smem:$0x3FAE]  }
0x30: {  	s3 =	sld [smem:$0x3FB1]  }
0x31: {  	[smem:$0x3FBA] =	sst s10  }
0x32: {  	s10 =	sld [smem:$0x3FB8];
	_ =	sdelay $0x3  }
0x33: {  	p0 =	seq.s32 s10, $0x1;
	s10 =	sld [smem:$0x3FBA];
	_ =	sdelay $0x3  }
0x34: {  	[smem:$0x3FBA] =	sst s10  }
0x35: {  	s10 =	sld [smem:$0x3FB9];
	_ =	sdelay $0x3  }
0x36: {  	p1 =	seq.s32 s10, $0x1;
	s10 =	sld [smem:$0x3FBA];
	_ =	sdelay $0x3  }
0x37: {  	[smem:$0x3FBA] =	sst s10  }
0x38: {  	s10 =	sld [smem:$0x3FBB]  }
0x39: {  	_ = 	snop;
	(pc) =	sbr.ind lr, $3  }
0x3a: {  	_ = 	snop  }
0x3b: {  	_ = 	snop  }
0x3c: {  	p2 =	seq.s32 s10, $0x1;
	s10 =	sld [smem:$0x3FBA]  }
0x3d: {  	_ =	shalt  }
0x3e: {  	_ =	shalt  }
0x3f: {  	_ =	shalt  }
0x40: {  	_ =	shalt  }
0x41: {  	_ =	shalt  }
0x42: {  	_ =	shalt  }
0x43: {  	_ =	shalt  }
0x44: {  	_ =	shalt  }
0x45: {  	_ =	shalt  }
0x46: {  	_ =	shalt  }
0x47: {  	_ =	shalt  }
0x48: {  	_ =	shalt  }
0x49: {  	_ =	shalt  }
0x4a: {  	_ =	shalt  }
0x4b: {  	_ =	shalt  }
0x4c: {  	_ =	shalt  }
0x4d: {  	_ =	shalt  }
0x4e: {  	_ =	shalt  }
0x4f: {  	_ =	shalt  }
0x50: {  	_ =	shalt  }
0x51: {  	_ =	shalt  }
0x52: {  	_ =	shalt  }
0x53: {  	_ =	shalt  }
0x54: {  	_ =	shalt  }
0x55: {  	_ =	shalt  }
0x56: {  	_ =	shalt  }
0x57: {  	_ =	shalt  }
0x58: {  	_ =	shalt  }
0x59: {  	_ =	shalt  }
0x5a: {  	_ =	shalt  }
0x5b: {  	_ =	shalt  }
0x5c: {  	_ =	shalt  }
0x5d: {  	_ =	shalt  }
0x5e: {  	_ =	shalt  }
0x5f: {  	_ =	shalt  }
0x60: {  	_ =	shalt  }
0x61: {  	_ =	shalt  }
0x62: {  	_ =	shalt  }
0x63: {  	_ =	shalt  }
0x64: {  	_ =	shalt  }
0x65: {  	_ =	shalt  }
0x66: {  	_ =	shalt  }
0x67: {  	_ =	shalt  }
0x68: {  	_ =	shalt  }
0x69: {  	_ =	shalt  }
0x6a: {  	_ =	shalt  }
0x6b: {  	_ =	shalt  }
0x6c: {  	_ =	shalt  }
0x6d: {  	_ =	shalt  }
0x6e: {  	_ =	shalt  }
0x6f: {  	_ =	shalt  }
0x70: {  	_ =	shalt  }
0x71: {  	_ =	shalt  }
0x72: {  	_ =	shalt  }
0x73: {  	_ =	shalt  }
0x74: {  	_ =	shalt  }
0x75: {  	_ =	shalt  }
0x76: {  	_ =	shalt  }
0x77: {  	_ =	shalt  }
0x78: {  	_ =	shalt  }
0x79: {  	_ =	shalt  }
0x7a: {  	_ =	shalt  }
0x7b: {  	_ =	shalt  }
0x7c: {  	_ =	shalt  }
0x7d: {  	_ =	shalt  }
0x7e: {  	_ =	shalt  }
0x7f: {  	_ =	shalt  }
0x80: {  	_ =	shalt  }
0x81: {  	_ =	shalt  }
0x82: {  	_ =	shalt  }
0x83: {  	_ =	shalt  }
0x84: {  	_ =	shalt  }
0x85: {  	_ =	shalt  }
0x86: {  	_ =	shalt  }
0x87: {  	_ =	shalt  }
.Lfunc_end0:
.L_simem_size_0:
called_computation_lowered:
.L_overlay_start_0:
0x88: {  	s0 =	sld [smem:$0x3FD9]  }
0x89: {  	s1 =	sld [smem:$0x3FFE];
	_ =	sdelay $0x3  }
0x8a: {  	s0 =	sadd.s32 s1, s0  }
0x8b: {  	[smem:$0x3FC6] =	sst s0  }
0x8c: {  	_ = 	snop  }
0x8d: {  	s0 =	sld [smem:$0x3FD0];
	(tm) =	ssettm $0x1  }
0x8e: {  	s16 =	sld [smem:$0x3FFB];
	_ =	sdelay $0x3  }
0x8f: {  	_ =	strace s16  }
0x90: {  	s1 =	sld [smem:$0x3FFC];
	_ =	sdelay $0x3  }
0x91: {  	_ =	strace s1  }
0x92: {  	s1 =	sld [smem:$0x3FFD];
	_ =	sdelay $0x3  }
0x93: {  	_ =	strace s1  }
0x94: {  	_ =	strace $0x8FFFFFFF  }
0x95: {  	s17 =	sld [smem:$0x3FDB];
	_ =	sdelay $0x1  }
0x96: {  	s2 =	simm.s32 $_scs_section_size  }
0x97: {  	s3 =	simm.s32 $_size__tile_overlayer_lowered;
	s4 =	simm.s32 $_tile_overlayer_lowered  }
0x98: {  	s20 =	simm.s32 $0x1BFF;
	s19 =	sshll.u32 s4, $0x1;
	s1 =	sadd.s32 s2, s17  }
0x99: {  	s5 =	simm.s32 $0x0;
	s18 =	sshll.u32 s3, $0x1;
	s3 =	sadd.s32 s19, s1  }
0x9a: {  	[timem:s5], [sflag:s20] =	dma.local [hbm:s3], s18  }
0x9b: {  	_ =	swait.ge [sflag:s20], s18  }
0x9c: {  	s2 =	ssub.s32 $0x0, s18;
	[sflag:s20] =	ssyncset.done $0x0  }
0x9d: {  	[sflag:s20] =	ssyncadd.s32 s2;
	_ =	sdelay $0x1  }
0x9e: {  	s21 =	simm.s32 $0x1B8B  }
0x9f: {  	_ =	swait.ge [sflag:s21], $0x1  }
0xa0: {  	[sflag:s21] =	ssyncset.done $0x0  }
0xa1: {  	s23 =	simm.s32 $0x1B8E;
	s22 =	sld [smem:$0x3FFE];
	[sflag:s21] =	ssyncadd.s32 $0xFFFFFFFF  }
0xa2: {  	s24 =	simm.s32 $execute0_lowered;
	[smem:$0x3FD2] =	sst s23  }
0xa3: {  	s3 =	sshll.u32 s24, $0x1;
	_ =	strace $0x80000046;
	[dreg:$0x1] =	wrdreg $0xFFFFFFFF  }
0xa4: {  	s25 =	simm.s32 $_size_execute0_lowered;
	s1 =	sadd.s32 s1, s3;
	[dreg:$0x0] =	wrdreg $0x0  }
0xa5: {  	s3 =	sshll.u32 s25, $0x1;
	[dreg:$0x2] =	wrdreg s1  }
0xa6: {  	[dreg:$0x3] =	wrdreg s3  }
0xa7: {  	[dreg:$0x4] =	wrdreg $0xC0  }
0xa8: {  	_ =	task [dreg:s5], $0x5FFFF  }
0xa9: {  	[dreg:$0x1] =	wrdreg $0xFFFFFFFF  }
0xaa: {  	[dreg:$0x0] =	wrdreg $0x60  }
0xab: {  	[dreg:$0x2] =	wrdreg s22  }
0xac: {  	[dreg:$0x3] =	wrdreg s0  }
0xad: {  	[dreg:$0x4] =	wrdreg $0x11BE00  }
0xae: {  	[dreg:$0x5] =	wrdreg $0x11CE00  }
0xaf: {  	[dreg:$0x6] =	wrdreg $0x11CF00  }
0xb0: {  	[dreg:$0x7] =	wrdreg $0x9  }
0xb1: {  	_ =	task.clear_ibuf [dreg:s5], $0x8FFFF;
	_ =	strace $0x90000046  }
0xb2: {  	s26 =	simm.s32 $0x9;
	_ =	strace $0x80000048  }
0xb3: {  	_ =	swait.ge [sflag:s26], $0x1  }
0xb4: {  	[sflag:s26] =	ssyncadd.s32 $0xFFFFFFFF  }
0xb5: {  	_ =	strace $0x90000048  }
0xb6: {  	_ =	sfence  }
0xb7: {  	s28 =	sld [smem:$0x0];
	_ =	sdelay $0x1  }
0xb8: {  	s29 =	srdreg.scid  }
0xb9: {  	s30 =	sshll.u32 s29, $0xD;
	s31 =	sshrl.u32 s29, $0x2  }
0xba: {  	s2 =	sand.u32 $0x4000, s30;
	s1 =	sand.u32 $0x1, s29;
	s0 =	sadd.s32 s31, s28  }
0xbb: {  	s1 =	sor.u32 s2, s1;
	s0 =	sshll.u32 s0, $0x11  }
0xbc: {  	s0 =	sor.u32 s0, s1  }
0xbd: {  	s0 =	sadd.s32 $0x8F2B, s0  }
0xbe: {  	[sflag:s0] =	ssyncadd.remote.s32 $0x1  }
0xbf: {  	_ =	sfence.sel $0xFFFF  }
0xc0: {  	[dreg:$0x0] =	wrdreg $0xFFFFFFFF;
	(pc) =	sbr.abs _section_cstart, $3  }
0xc1: {  	[dreg:$0x1] =	wrdreg $0xFFFFFFFF  }
0xc2: {  	_ =	task.clear_ibuf [dreg:s5], $0x2FFFF;
	_ =	strace $0x9FFFFFFF  }
0xc3: {  	(tm) =	ssettm $0x7FFFFFFF  }
tec
execute0_lowered:
.L_overlay_start_1:
0x0: {  	(tag) =	ssettag $0x1  }
0x1: {  	s4 =	rddreg [dreg:$0x0]  }
0x2: {  	s1 =	rddreg [dreg:$0x1]  }
0x3: {  	s7 =	rddreg [dreg:$0x2]  }
0x4: {  	s6 =	rddreg [dreg:$0x3];
	s3 =	stileid.u32  }
0x5: {  	s2 =	rddreg [dreg:$0x4];
	s8 =	smul.u32 $0x1E90, s3  }
0x6: {  	s0 =	rddreg [dreg:$0x5];
	s5 =	simm.s32 $0x0  }
0x7: {  	[smem:$0x7FF] =	sst s5;
	s8 =	sadd.s32 s8, s4  }
0x8: {  	s31 =	simm.s32 $0x2;
	_ =	strace $0x80000047;
	s8 =	sadd.s32 $0xF42400, s8  }
0x9: {  	[tilespmem:s5], [sflag:$0x2] =	stream.linear.gather [hbm4b:s8+s5], $0xF480, $0x38;
	[tilespmem:$0x11D00] =	vst v63  }
0xa: {  	_ =	swait.ge [sflag:s31], $0xF480  }
0xb: {  	[sflag:s31] =	ssyncset.done $0x0  }
0xc: {  	v0 =	vlaneseq.u32;
	v1 =	vimm.s32 $0x0;
	s9 =	simm.s32 $0x0;
	s8 =	simm.s32 $0xF480;
	[sflag:s31] =	ssyncadd.s32 $0xFFFF0B80  }
.LBB2_1:
0xd: {  	v2 =	vor.u32 s9, v0;
	p0 =	sne.s32 s9, $0xFF0  }
.Ltmp0:
0xe: {  	_ = 	snop;
	(pc) =	sbr.rel @p0 .LBB2_1-.Ltmp0, $2  }
0xf: {  	_ =	sdelay $0x2  }
0x10: {  	s9 =	sadd.s32 $0x10, s9;
	[tilespmem:v2+s8+$0x0] =	vst.idx.msk $0xffff, v1  }
0x11: {  	v0 =	vlaneseq.u32;
	v1 =	vimm.s32 $0x1;
	s8 =	simm.s32 $0xF480  }
.LBB2_3:
0x12: {  	s9 =	sshra.s32 s5, $0x2  }
0x13: {  	v2 =	vld [tilespmem:s9+$0x0];
	_ =	sdelay $0x4  }
0x14: {  	v3 =	vshra.s32 v2, $0x1F  }
0x15: {  	v3 =	vor.u32 $0x80000000, v3  }
0x16: {  	v2 =	vxor.u32 v2, v3  }
0x17: {  	v2 =	vshrl.u32 v2, $0x14  }
0x18: {  	v2 =	vand.u32 $0xFF0, v2  }
0x19: {  	p0 =	sne.s32 s5, $0x3D1C0;
	v2 =	vor.u32 v0, v2  }
.Ltmp1:
0x1a: {  	_ = 	snop;
	(pc) =	sbr.rel @p0 .LBB2_3-.Ltmp1, $2  }
0x1b: {  	_ =	sdelay $0x2  }
0x1c: {  	s5 =	sadd.s32 $0x40, s5;
	[tilespmem:v2+s8+$0x0] =	vst.idx.add.s32.msk $0xffff, v1  }
0x1d: {  	s5 =	simm.s32 $0x0;
	v0 =	vlaneseq.u32  }
0x1e: {  	s8 =	simm.s32 $0xF480;
	s9 =	simm.s32 $0x10480;
	s10 =	simm.s32 $0x0;
	v1 =	vmul.u32 $0x10, v0  }
.LBB2_5:
0x1f: {  	s11 =	sshll.u32 s10, $0x8  }
0x20: {  	s12 =	sor.u32 s11, s5  }
0x21: {  	v3 =	vor.u32 s12, v1;
	_ =	sdelay $0x2  }
0x22: {  	s31 =	simm.s32 $0x1  }
0x23: {  	s13 =	sor.u32 s11, s31  }
0x24: {  	v2 =	vimm.s32 $0x0;
	s12 =	simm.s32 $0x2;
	v4 =	vor.u32 s13, v1;
	v3 =	vld.idx.msk [tilespmem:v3+s8+$0x0], $0xffff  }
.LBB2_6:
0x25: {  	p0 =	sne.s32 s12, $0xF  }
.Ltmp2:
0x26: {  	_ = 	snop;
	(pc) =	sbr.rel @p0 .LBB2_6-.Ltmp2, $3  }
0x27: {  	_ =	sdelay $0x1  }
0x28: {  	s13 =	sor.u32 s11, s12;
	s12 =	sadd.s32 $0x1, s12;
	v2 =	vadd.s32 v2, v3;
	v3 =	vld.idx.msk [tilespmem:v4+s8+$0x0], $0xffff  }
0x29: {  	v4 =	vor.u32 s13, v1  }
0x2a: {  	_ =	sdelay $0x3  }
0x2b: {  	v4 =	vld.idx.msk [tilespmem:v4+s8+$0x0], $0xffff;
	s11 =	sshll.u32 s10, $0x4;
	s10 =	sadd.s32 $0x1, s10  }
0x2c: {  	v5 =	vor.u32 s11, v0;
	p0 =	sne.s32 s10, $0x10  }
.Ltmp3:
0x2d: {  	_ = 	snop;
	(pc) =	sbr.rel @p0 .LBB2_5-.Ltmp3, $4  }
0x2e: {  	_ = 	snop  }
0x2f: {  	v2 =	vadd.s32 v2, v3  }
0x30: {  	v2 =	vadd.s32 v2, v4  }
0x31: {  	[tilespmem:v5+s9+$0x0] =	vst.idx.msk $0xffff, v2  }
0x32: {  	s5 =	sshll.u32 s3, $0x8  }
0x33: {  	s9 =	simm.s32 $0x2;
	s8 =	sadd.s32 s5, s7;
	s5 =	simm.s32 $0x10480  }
0x34: {  	[spmem:s8] =	stream.linear.scatter [tilespmem:s5], [sflag:$0x2], $0x100, $0x38;
	[tilespmem:$0x11D00] =	vst v63  }
0x35: {  	_ =	swait.ge [sflag:s9], $0x100  }
0x36: {  	[sflag:s9] =	ssyncset.done $0x0  }
0x37: {  	[sflag:s9] =	ssyncadd.s32 $0xFFFFFF00  }
0x38: {  	s10 =	simm.s32 $0x10580;
	[bflag:$0x0] =	sbarrier.arrive $0xFFFF  }
0x39: {  	[tilespmem:s10], [sflag:$0x2] =	stream.linear.gather [spmem:s7], $0x1000, $0x38;
	[tilespmem:$0x11D00] =	vst v63  }
0x3a: {  	_ =	swait.ge [sflag:s9], $0x1000  }
0x3b: {  	[sflag:s9] =	ssyncset.done $0x0  }
0x3c: {  	[sflag:s9] =	ssyncadd.s32 $0xFFFFF000  }
0x3d: {  	s10 =	simm.s32 $0x10D80;
	[bflag:$0x0] =	sbarrier.arrive $0xFFFF  }
0x3e: {  	v1 =	vld [tilespmem:s10+$0xFFFFF900]  }
0x3f: {  	v0 =	vlaneseq.u32;
	s12 =	simm.s32 $0x10;
	s11 =	simm.s32 $0x0;
	s9 =	simm.s32 $0x0;
	v2 =	vld [tilespmem:s10+$0xFFFFF800]  }
.LBB2_9:
0x40: {  	p0 =	sne.s32 s12, $0xF0;
	v3 =	vld [tilespmem:s10+$0xFFFFFA00]  }
0x41: {  	v4 =	vld [tilespmem:s10+$0xFFFFFB00]  }
0x42: {  	v5 =	vld [tilespmem:s10+$0xFFFFFC00]  }
0x43: {  	v6 =	vld [tilespmem:s10+$0xFFFFFD00]  }
0x44: {  	v1 =	vadd.s32 v2, v1;
	v2 =	vld [tilespmem:s10+$0xFFFFFE00]  }
0x45: {  	v1 =	vadd.s32 v1, v3;
	v3 =	vld [tilespmem:s10+$0xFFFFFF00]  }
0x46: {  	v1 =	vadd.s32 v1, v4;
	v4 =	vld [tilespmem:s10+$0x0]  }
0x47: {  	v1 =	vadd.s32 v1, v5;
	v5 =	vld [tilespmem:s10+$0x100]  }
0x48: {  	v1 =	vadd.s32 v1, v6;
	v6 =	vld [tilespmem:s10+$0x200]  }
0x49: {  	v1 =	vadd.s32 v1, v2;
	v2 =	vld [tilespmem:s10+$0x300]  }
0x4a: {  	v1 =	vadd.s32 v1, v3;
	v3 =	vld [tilespmem:s10+$0x400]  }
0x4b: {  	v1 =	vadd.s32 v1, v4;
	v4 =	vld [tilespmem:s10+$0x500]  }
0x4c: {  	v1 =	vadd.s32 v1, v5;
	v5 =	vld [tilespmem:s10+$0x600]  }
0x4d: {  	v1 =	vadd.s32 v1, v6;
	v6 =	vld [tilespmem:s10+$0x700]  }
0x4e: {  	v1 =	vadd.s32 v1, v2;
	v2 =	vor.u32 s11, v0;
	s11 =	smov.u32 s12  }
0x4f: {  	v1 =	vadd.s32 v1, v3  }
0x50: {  	v1 =	vadd.s32 v1, v4  }
.Ltmp4:
0x51: {  	v1 =	vadd.s32 v1, v5;
	(pc) =	sbr.rel @p0 .LBB2_9-.Ltmp4, $4  }
0x52: {  	v1 =	vadd.s32 v1, v6  }
0x53: {  	s10 =	sadd.s32 $0x10, s10;
	[tilespmem:v2+s5+$0x0] =	vst.idx.msk $0xffff, v1  }
0x54: {  	v1 =	vld [tilespmem:s10+$0xFFFFF900]  }
0x55: {  	s12 =	sadd.s32 $0x10, s12;
	v2 =	vld [tilespmem:s10+$0xFFFFF800]  }
0x56: {  	v3 =	vld [tilespmem:s10+$0xFFFFFA00]  }
0x57: {  	v4 =	vld [tilespmem:s10+$0xFFFFFB00]  }
0x58: {  	v5 =	vld [tilespmem:s10+$0xFFFFFC00]  }
0x59: {  	v6 =	vld [tilespmem:s10+$0xFFFFFD00]  }
0x5a: {  	v54 =	vld [tilespmem:s10+$0xFFFFFE00];
	v1 =	vadd.s32 v2, v1  }
0x5b: {  	v55 =	vld [tilespmem:s10+$0xFFFFFF00];
	v1 =	vadd.s32 v1, v3  }
0x5c: {  	v56 =	vld [tilespmem:s10+$0x0];
	v1 =	vadd.s32 v1, v4  }
0x5d: {  	v57 =	vld [tilespmem:s10+$0x100];
	v1 =	vadd.s32 v1, v5  }
0x5e: {  	v58 =	vld [tilespmem:s10+$0x200];
	v1 =	vadd.s32 v1, v6  }
0x5f: {  	v59 =	vld [tilespmem:s10+$0x300];
	v1 =	vadd.s32 v1, v54  }
0x60: {  	v60 =	vld [tilespmem:s10+$0x400];
	v1 =	vadd.s32 v1, v55  }
0x61: {  	v61 =	vld [tilespmem:s10+$0x500];
	v1 =	vadd.s32 v1, v56  }
0x62: {  	v62 =	vld [tilespmem:s10+$0x600];
	v1 =	vadd.s32 v1, v57  }
0x63: {  	v63 =	vld [tilespmem:s10+$0x700];
	v1 =	vadd.s32 v1, v58  }
0x64: {  	v0 =	vor.u32 s11, v0;
	v1 =	vadd.s32 v1, v59  }
0x65: {  	v1 =	vadd.s32 v1, v60  }
0x66: {  	v1 =	vadd.s32 v1, v61  }
0x67: {  	v1 =	vadd.s32 v1, v62  }
0x68: {  	v1 =	vadd.s32 v1, v63  }
0x69: {  	s11 =	simm.s32 $0x10000;
	s10 =	simm.s32 $0xFF;
	s12 =	simm.s32 $0x10480;
	[tilespmem:v0+s5+$0x0] =	vst.idx.msk $0xffff, v1  }
.LBB2_11:
0x6a: {  	v0 =	vmov s10;
	_ =	sdelay $0x4  }
0x6b: {  	v1 =	vld.idx.msk [tilespmem:v0+s12+$0x0], $0xffff;
	_ =	sdelay $0x4  }
0x6c: {  	(v2sf) =	vpush v1, $0x0;
	_ =	sdelay $0xe  }
0x6d: {  	s5 =	smov.u32 s9;
	s31 =	spop (v2sf)  }
0x6e: {  	s9 =	sadd.s32 s5, s31  }
0x6f: {  	p0 =	slt.s32 s9, $0x100  }
.Ltmp5:
0x70: {  	_ = 	snop;
	(pc) =	sbr.rel @p0 .LBB2_11-.Ltmp5, $2  }
0x71: {  	_ =	sdelay $0x2  }
0x72: {  	s11 =	sadd.s32 $0xFFFFFF00, s11;
	s10 =	sadd.s32 $0xFFFFFFFF, s10  }
0x73: {  	s9 =	simm.s32 $0x0;
	v1 =	vlaneseq.u32;
	v2 =	vimm.s32 $0x0;
	s10 =	simm.s32 $0xF480  }
.LBB2_13:
0x74: {  	v3 =	vor.u32 s9, v1;
	p0 =	sne.s32 s9, $0xFF0  }
.Ltmp6:
0x75: {  	_ = 	snop;
	(pc) =	sbr.rel @p0 .LBB2_13-.Ltmp6, $2  }
0x76: {  	_ =	sdelay $0x2  }
0x77: {  	s9 =	sadd.s32 $0x10, s9;
	[tilespmem:v3+s10+$0x0] =	vst.idx.msk $0xffff, v2  }
0x78: {  	s9 =	simm.s32 $0x0;
	v1 =	vlaneseq.u32;
	v2 =	vimm.s32 $0x1;
	s10 =	simm.s32 $0xF480  }
.LBB2_15:
0x79: {  	s12 =	sshra.s32 s9, $0x2  }
0x7a: {  	v3 =	vld [tilespmem:s12+$0x0];
	_ =	sdelay $0x4  }
0x7b: {  	v4 =	vshra.s32 v3, $0x1F  }
0x7c: {  	v4 =	vor.u32 $0x80000000, v4  }
0x7d: {  	v3 =	vxor.u32 v3, v4  }
0x7e: {  	v4 =	vshrl.u32 v3, $0xC;
	v3 =	vshrl.u32 v3, $0x18  }
0x7f: {  	v4 =	vand.u32 $0xFF0, v4;
	vm0 =	veq.s32 v3, v0  }
0x80: {  	p0 =	sne.s32 s9, $0x3D1C0;
	v3 =	vor.u32 v1, v4  }
.Ltmp7:
0x81: {  	_ = 	snop;
	(pc) =	sbr.rel @p0 .LBB2_15-.Ltmp7, $2  }
0x82: {  	_ =	sdelay $0x2  }
0x83: {  	s9 =	sadd.s32 $0x40, s9;
	[tilespmem:v3+s10+$0x0] =	vst.idx.add.s32.msk vm0, v2  }
0x84: {  	s9 =	simm.s32 $0x0;
	v0 =	vlaneseq.u32  }
0x85: {  	s10 =	simm.s32 $0xF480;
	s12 =	simm.s32 $0x10480;
	s13 =	simm.s32 $0x0;
	v1 =	vmul.u32 $0x10, v0  }
.LBB2_17:
0x86: {  	s14 =	sshll.u32 s13, $0x8  }
0x87: {  	s15 =	sor.u32 s14, s9  }
0x88: {  	v3 =	vor.u32 s15, v1;
	_ =	sdelay $0x2  }
0x89: {  	s31 =	simm.s32 $0x1  }
0x8a: {  	s16 =	sor.u32 s14, s31  }
0x8b: {  	v2 =	vimm.s32 $0x0;
	s15 =	simm.s32 $0x2;
	v4 =	vor.u32 s16, v1;
	v3 =	vld.idx.msk [tilespmem:v3+s10+$0x0], $0xffff  }
.LBB2_18:
0x8c: {  	p0 =	sne.s32 s15, $0xF  }
.Ltmp8:
0x8d: {  	_ = 	snop;
	(pc) =	sbr.rel @p0 .LBB2_18-.Ltmp8, $3  }
0x8e: {  	_ =	sdelay $0x1  }
0x8f: {  	s16 =	sor.u32 s14, s15;
	s15 =	sadd.s32 $0x1, s15;
	v2 =	vadd.s32 v2, v3;
	v3 =	vld.idx.msk [tilespmem:v4+s10+$0x0], $0xffff  }
0x90: {  	v4 =	vor.u32 s16, v1  }
0x91: {  	_ =	sdelay $0x3  }
0x92: {  	v4 =	vld.idx.msk [tilespmem:v4+s10+$0x0], $0xffff;
	s14 =	sshll.u32 s13, $0x4;
	s13 =	sadd.s32 $0x1, s13  }
0x93: {  	v5 =	vor.u32 s14, v0;
	p0 =	sne.s32 s13, $0x10  }
.Ltmp9:
0x94: {  	_ = 	snop;
	(pc) =	sbr.rel @p0 .LBB2_17-.Ltmp9, $4  }
0x95: {  	_ = 	snop  }
0x96: {  	v2 =	vadd.s32 v2, v3  }
0x97: {  	v2 =	vadd.s32 v2, v4  }
0x98: {  	[tilespmem:v5+s12+$0x0] =	vst.idx.msk $0xffff, v2  }
0x99: {  	s9 =	simm.s32 $0x10480;
	s10 =	simm.s32 $0x2  }
0x9a: {  	[spmem:s8] =	stream.linear.scatter [tilespmem:s9], [sflag:$0x2], $0x100, $0x38;
	[tilespmem:$0x11D00] =	vst v63  }
0x9b: {  	_ =	swait.ge [sflag:s10], $0x100  }
0x9c: {  	[sflag:s10] =	ssyncset.done $0x0  }
0x9d: {  	[sflag:s10] =	ssyncadd.s32 $0xFFFFFF00  }
0x9e: {  	s12 =	simm.s32 $0x10580;
	[bflag:$0x0] =	sbarrier.arrive $0xFFFF  }
0x9f: {  	[tilespmem:s12], [sflag:$0x2] =	stream.linear.gather [spmem:s7], $0x1000, $0x38;
	[tilespmem:$0x11D00] =	vst v63  }
0xa0: {  	_ =	swait.ge [sflag:s10], $0x1000  }
0xa1: {  	[sflag:s10] =	ssyncset.done $0x0  }
0xa2: {  	[sflag:s10] =	ssyncadd.s32 $0xFFFFF000  }
0xa3: {  	s12 =	simm.s32 $0x10D80;
	[bflag:$0x0] =	sbarrier.arrive $0xFFFF  }
0xa4: {  	v1 =	vld [tilespmem:s12+$0xFFFFF900]  }
0xa5: {  	v0 =	vlaneseq.u32;
	s13 =	simm.s32 $0x10;
	s10 =	simm.s32 $0x0;
	v2 =	vld [tilespmem:s12+$0xFFFFF800]  }
.LBB2_21:
0xa6: {  	p0 =	seq.s32 s13, $0xF0;
	v3 =	vld [tilespmem:s12+$0xFFFFFA00]  }
0xa7: {  	v4 =	vld [tilespmem:s12+$0xFFFFFB00]  }
0xa8: {  	v5 =	vld [tilespmem:s12+$0xFFFFFC00]  }
0xa9: {  	v6 =	vld [tilespmem:s12+$0xFFFFFD00]  }
0xaa: {  	v1 =	vadd.s32 v2, v1;
	v2 =	vld [tilespmem:s12+$0xFFFFFE00]  }
0xab: {  	v1 =	vadd.s32 v1, v3;
	v3 =	vld [tilespmem:s12+$0xFFFFFF00]  }
0xac: {  	v1 =	vadd.s32 v1, v4;
	v4 =	vld [tilespmem:s12+$0x0]  }
0xad: {  	v1 =	vadd.s32 v1, v5;
	v5 =	vld [tilespmem:s12+$0x100]  }
0xae: {  	v1 =	vadd.s32 v1, v6;
	v6 =	vld [tilespmem:s12+$0x200]  }
0xaf: {  	v1 =	vadd.s32 v1, v2;
	v2 =	vld [tilespmem:s12+$0x300]  }
0xb0: {  	v1 =	vadd.s32 v1, v3;
	v3 =	vld [tilespmem:s12+$0x400]  }
0xb1: {  	v1 =	vadd.s32 v1, v4;
	v4 =	vld [tilespmem:s12+$0x500]  }
0xb2: {  	v1 =	vadd.s32 v1, v5;
	v5 =	vld [tilespmem:s12+$0x600]  }
0xb3: {  	v1 =	vadd.s32 v1, v6;
	v6 =	vld [tilespmem:s12+$0x700]  }
0xb4: {  	v1 =	vadd.s32 v1, v2;
	v2 =	vor.u32 s10, v0;
	s10 =	smov.u32 s13  }
0xb5: {  	v1 =	vadd.s32 v1, v3  }
0xb6: {  	v1 =	vadd.s32 v1, v4  }
.Ltmp10:
0xb7: {  	v1 =	vadd.s32 v1, v5;
	(pc) =	sbr.rel @!p0 .LBB2_21-.Ltmp10, $4  }
0xb8: {  	v1 =	vadd.s32 v1, v6  }
0xb9: {  	s12 =	sadd.s32 $0x10, s12;
	[tilespmem:v2+s9+$0x0] =	vst.idx.msk $0xffff, v1  }
0xba: {  	v1 =	vld [tilespmem:s12+$0xFFFFF900]  }
0xbb: {  	s13 =	sadd.s32 $0x10, s13;
	v2 =	vld [tilespmem:s12+$0xFFFFF800]  }
0xbc: {  	v3 =	vld [tilespmem:s12+$0xFFFFFA00]  }
0xbd: {  	v4 =	vld [tilespmem:s12+$0xFFFFFB00]  }
0xbe: {  	v5 =	vld [tilespmem:s12+$0xFFFFFC00]  }
0xbf: {  	v6 =	vld [tilespmem:s12+$0xFFFFFD00]  }
0xc0: {  	v54 =	vld [tilespmem:s12+$0xFFFFFE00];
	v1 =	vadd.s32 v2, v1  }
0xc1: {  	v55 =	vld [tilespmem:s12+$0xFFFFFF00];
	v1 =	vadd.s32 v1, v3  }
0xc2: {  	v56 =	vld [tilespmem:s12+$0x0];
	v1 =	vadd.s32 v1, v4  }
0xc3: {  	v57 =	vld [tilespmem:s12+$0x100];
	v1 =	vadd.s32 v1, v5  }
0xc4: {  	v58 =	vld [tilespmem:s12+$0x200];
	v1 =	vadd.s32 v1, v6  }
0xc5: {  	v59 =	vld [tilespmem:s12+$0x300];
	v1 =	vadd.s32 v1, v54  }
0xc6: {  	v60 =	vld [tilespmem:s12+$0x400];
	v1 =	vadd.s32 v1, v55  }
0xc7: {  	v61 =	vld [tilespmem:s12+$0x500];
	v1 =	vadd.s32 v1, v56  }
0xc8: {  	v62 =	vld [tilespmem:s12+$0x600];
	v1 =	vadd.s32 v1, v57  }
0xc9: {  	v63 =	vld [tilespmem:s12+$0x700];
	s12 =	ssub.s32 $0x100, s5;
	v1 =	vadd.s32 v1, v58  }
0xca: {  	v0 =	vor.u32 s10, v0;
	p0 =	sgt.s32 s12, $0x0;
	v1 =	vadd.s32 v1, v59  }
.Ltmp11:
0xcb: {  	v1 =	vadd.s32 v1, v60;
	(pc) =	sbr.rel @!p0 .LBB2_23-.Ltmp11, $4  }
0xcc: {  	v1 =	vadd.s32 v1, v61  }
0xcd: {  	v1 =	vadd.s32 v1, v62  }
0xce: {  	v1 =	vadd.s32 v1, v63  }
0xcf: {  	s5 =	sshll.u32 s3, $0x4;
	s13 =	simm.s32 $0x100;
	s15 =	simm.s32 $0x0;
	[tilespmem:v0+s9+$0x0] =	vst.idx.msk $0xffff, v1  }
0xd0: {  	s9 =	simm.s32 $0x10480;
	s14 =	simm.s32 $0x0  }
.LBB2_25:
0xd1: {  	s13 =	sadd.s32 $0xFFFFFFFF, s13  }
0xd2: {  	v0 =	vmov s13;
	_ =	sdelay $0x4  }
0xd3: {  	v0 =	vld.idx.msk [tilespmem:v0+s9+$0x0], $0xffff;
	_ =	sdelay $0x4  }
0xd4: {  	(v2sf) =	vpush v0, $0x0;
	_ =	sdelay $0xe  }
0xd5: {  	s10 =	spop (v2sf)  }
0xd6: {  	s14 =	sadd.s32 s14, s10  }
0xd7: {  	p0 =	slt.s32 s14, s12  }
.Ltmp12:
0xd8: {  	_ = 	snop;
	(pc) =	sbr.rel @p0 .LBB2_25-.Ltmp12, $1  }
0xd9: {  	_ =	sdelay $0x3  }
.Ltmp13:
0xda: {  	_ = 	snop;
	(pc) =	sbr.rel .LBB2_26-.Ltmp13, $1  }
0xdb: {  	_ =	sdelay $0x3  }
.LBB2_23:
0xdc: {  	s14 =	simm.s32 $0x0  }
.LBB2_26:
0xdd: {  	v0 =	vmov s13;
	_ =	sdelay $0x3  }
0xde: {  	s10 =	smul.u32 $0xF480, s3;
	s16 =	simm.s32 $0x10480;
	s9 =	sadd.s32 s5, s6;
	v2 =	vlaneseq.u32  }
0xdf: {  	s5 =	sadd.s32 s5, s2;
	v1 =	vimm.s32 $0x0;
	s17 =	simm.s32 $0x10;
	v3 =	vor.u32 s15, v2;
	v0 =	vld.idx.msk [tilespmem:v0+s16+$0x0], $0xffff;
	s16 =	simm.s32 $0xF480  }
.LBB2_27:
0xe0: {  	p0 =	seq.s32 s17, $0xFF0  }
.Ltmp14:
0xe1: {  	_ = 	snop;
	(pc) =	sbr.rel @!p0 .LBB2_27-.Ltmp14, $3  }
0xe2: {  	_ =	sdelay $0x1  }
0xe3: {  	[tilespmem:v3+s16+$0x0] =	vst.idx.msk $0xffff, v1;
	s15 =	smov.u32 s17;
	s17 =	sadd.s32 $0x10, s17  }
0xe4: {  	v3 =	vor.u32 s15, v2  }
0xe5: {  	_ =	sdelay $0x2  }
0xe6: {  	s13 =	sor.u32 s11, s13  }
0xe7: {  	[tilespmem:v3+s16+$0x0] =	vst.idx.msk $0xffff, v1;
	s11 =	simm.s32 $0x0;
	v2 =	vlaneseq.u32;
	v3 =	vimm.s32 $0x1;
	s15 =	simm.s32 $0xF480;
	s16 =	simm.s32 $0x0;
	v1 =	vmov s13  }
.LBB2_29:
0xe8: {  	s17 =	sshra.s32 s16, $0x2  }
0xe9: {  	v4 =	vld [tilespmem:s17+$0x0];
	_ =	sdelay $0x4  }
0xea: {  	v5 =	vshra.s32 v4, $0x1F  }
0xeb: {  	v5 =	vor.u32 $0x80000000, v5  }
0xec: {  	v4 =	vxor.u32 v4, v5  }
0xed: {  	v5 =	vshrl.u32 v4, $0x4;
	v4 =	vshrl.u32 v4, $0x10  }
0xee: {  	v5 =	vand.u32 $0xFF0, v5;
	vm0 =	veq.s32 v4, v1  }
0xef: {  	p0 =	sne.s32 s16, $0x3D1C0;
	v4 =	vor.u32 v2, v5  }
.Ltmp15:
0xf0: {  	_ = 	snop;
	(pc) =	sbr.rel @p0 .LBB2_29-.Ltmp15, $2  }
0xf1: {  	_ =	sdelay $0x2  }
0xf2: {  	s16 =	sadd.s32 $0x40, s16;
	[tilespmem:v4+s15+$0x0] =	vst.idx.add.s32.msk vm0, v3  }
0xf3: {  	v1 =	vlaneseq.u32  }
0xf4: {  	s15 =	simm.s32 $0xF480;
	s16 =	simm.s32 $0x10480;
	v2 =	vmul.u32 $0x10, v1  }
.LBB2_31:
0xf5: {  	s17 =	sshll.u32 s11, $0x8;
	s18 =	simm.s32 $0x0  }
0xf6: {  	s18 =	sor.u32 s17, s18  }
0xf7: {  	v4 =	vor.u32 s18, v2;
	_ =	sdelay $0x2  }
0xf8: {  	s31 =	simm.s32 $0x1  }
0xf9: {  	s19 =	sor.u32 s17, s31  }
0xfa: {  	v3 =	vimm.s32 $0x0;
	s18 =	simm.s32 $0x2;
	v5 =	vor.u32 s19, v2;
	v4 =	vld.idx.msk [tilespmem:v4+s15+$0x0], $0xffff  }
.LBB2_32:
0xfb: {  	p0 =	sne.s32 s18, $0xF  }
.Ltmp16:
0xfc: {  	_ = 	snop;
	(pc) =	sbr.rel @p0 .LBB2_32-.Ltmp16, $3  }
0xfd: {  	_ =	sdelay $0x1  }
0xfe: {  	s19 =	sor.u32 s17, s18;
	s18 =	sadd.s32 $0x1, s18;
	v3 =	vadd.s32 v3, v4;
	v4 =	vld.idx.msk [tilespmem:v5+s15+$0x0], $0xffff  }
0xff: {  	v5 =	vor.u32 s19, v2  }
0x100: {  	_ =	sdelay $0x3  }
0x101: {  	v5 =	vld.idx.msk [tilespmem:v5+s15+$0x0], $0xffff;
	s17 =	sshll.u32 s11, $0x4;
	s11 =	sadd.s32 $0x1, s11  }
0x102: {  	v6 =	vor.u32 s17, v1;
	p0 =	sne.s32 s11, $0x10  }
.Ltmp17:
0x103: {  	_ = 	snop;
	(pc) =	sbr.rel @p0 .LBB2_31-.Ltmp17, $4  }
0x104: {  	_ = 	snop  }
0x105: {  	v3 =	vadd.s32 v3, v4  }
0x106: {  	v3 =	vadd.s32 v3, v5  }
0x107: {  	[tilespmem:v6+s16+$0x0] =	vst.idx.msk $0xffff, v3  }
0x108: {  	s11 =	simm.s32 $0x10480;
	s15 =	simm.s32 $0x2  }
0x109: {  	[spmem:s8] =	stream.linear.scatter [tilespmem:s11], [sflag:$0x2], $0x100, $0x38;
	[tilespmem:$0x11D00] =	vst v63  }
0x10a: {  	_ =	swait.ge [sflag:s15], $0x100  }
0x10b: {  	[sflag:s15] =	ssyncset.done $0x0  }
0x10c: {  	[sflag:s15] =	ssyncadd.s32 $0xFFFFFF00  }
0x10d: {  	s16 =	simm.s32 $0x10580;
	[bflag:$0x0] =	sbarrier.arrive $0xFFFF  }
0x10e: {  	[tilespmem:s16], [sflag:$0x2] =	stream.linear.gather [spmem:s7], $0x1000, $0x38;
	[tilespmem:$0x11D00] =	vst v63  }
0x10f: {  	_ =	swait.ge [sflag:s15], $0x1000  }
0x110: {  	[sflag:s15] =	ssyncset.done $0x0  }
0x111: {  	[sflag:s15] =	ssyncadd.s32 $0xFFFFF000  }
0x112: {  	s16 =	simm.s32 $0x10D80;
	[bflag:$0x0] =	sbarrier.arrive $0xFFFF  }
0x113: {  	v2 =	vld [tilespmem:s16+$0xFFFFF900]  }
0x114: {  	v1 =	vlaneseq.u32;
	s17 =	simm.s32 $0x10;
	s15 =	simm.s32 $0x0;
	v3 =	vld [tilespmem:s16+$0xFFFFF800]  }
.LBB2_35:
0x115: {  	p0 =	seq.s32 s17, $0xF0;
	v4 =	vld [tilespmem:s16+$0xFFFFFA00]  }
0x116: {  	v5 =	vld [tilespmem:s16+$0xFFFFFB00]  }
0x117: {  	v6 =	vld [tilespmem:s16+$0xFFFFFC00]  }
0x118: {  	v7 =	vld [tilespmem:s16+$0xFFFFFD00]  }
0x119: {  	v2 =	vadd.s32 v3, v2;
	v3 =	vld [tilespmem:s16+$0xFFFFFE00]  }
0x11a: {  	v2 =	vadd.s32 v2, v4;
	v4 =	vld [tilespmem:s16+$0xFFFFFF00]  }
0x11b: {  	v2 =	vadd.s32 v2, v5;
	v5 =	vld [tilespmem:s16+$0x0]  }
0x11c: {  	v2 =	vadd.s32 v2, v6;
	v6 =	vld [tilespmem:s16+$0x100]  }
0x11d: {  	v2 =	vadd.s32 v2, v7;
	v7 =	vld [tilespmem:s16+$0x200]  }
0x11e: {  	v2 =	vadd.s32 v2, v3;
	v3 =	vld [tilespmem:s16+$0x300]  }
0x11f: {  	v2 =	vadd.s32 v2, v4;
	v4 =	vld [tilespmem:s16+$0x400]  }
0x120: {  	v2 =	vadd.s32 v2, v5;
	v5 =	vld [tilespmem:s16+$0x500]  }
0x121: {  	v2 =	vadd.s32 v2, v6;
	v6 =	vld [tilespmem:s16+$0x600]  }
0x122: {  	v2 =	vadd.s32 v2, v7;
	v7 =	vld [tilespmem:s16+$0x700]  }
0x123: {  	v2 =	vadd.s32 v2, v3;
	v3 =	vor.u32 s15, v1;
	s15 =	smov.u32 s17  }
0x124: {  	v2 =	vadd.s32 v2, v4  }
0x125: {  	v2 =	vadd.s32 v2, v5  }
.Ltmp18:
0x126: {  	v2 =	vadd.s32 v2, v6;
	(pc) =	sbr.rel @!p0 .LBB2_35-.Ltmp18, $4  }
0x127: {  	v2 =	vadd.s32 v2, v7  }
0x128: {  	s16 =	sadd.s32 $0x10, s16;
	[tilespmem:v3+s11+$0x0] =	vst.idx.msk $0xffff, v2  }
0x129: {  	v2 =	vld [tilespmem:s16+$0xFFFFF900]  }
0x12a: {  	s17 =	sadd.s32 $0x10, s17;
	v3 =	vld [tilespmem:s16+$0xFFFFF800]  }
0x12b: {  	v4 =	vld [tilespmem:s16+$0xFFFFFA00]  }
0x12c: {  	v5 =	vld [tilespmem:s16+$0xFFFFFB00]  }
0x12d: {  	v6 =	vld [tilespmem:s16+$0xFFFFFC00]  }
0x12e: {  	v7 =	vld [tilespmem:s16+$0xFFFFFD00];
	(v2sf) =	vpush v0, $0x0  }
0x12f: {  	v54 =	vld [tilespmem:s16+$0xFFFFFE00];
	v2 =	vadd.s32 v3, v2  }
0x130: {  	v55 =	vld [tilespmem:s16+$0xFFFFFF00];
	v2 =	vadd.s32 v2, v4  }
0x131: {  	v56 =	vld [tilespmem:s16+$0x0];
	v2 =	vadd.s32 v2, v5  }
0x132: {  	v57 =	vld [tilespmem:s16+$0x100];
	v2 =	vadd.s32 v2, v6  }
0x133: {  	v58 =	vld [tilespmem:s16+$0x200];
	v2 =	vadd.s32 v2, v7  }
0x134: {  	v59 =	vld [tilespmem:s16+$0x300];
	v2 =	vadd.s32 v2, v54  }
0x135: {  	v60 =	vld [tilespmem:s16+$0x400];
	v2 =	vadd.s32 v2, v55  }
0x136: {  	v61 =	vld [tilespmem:s16+$0x500];
	v2 =	vadd.s32 v2, v56  }
0x137: {  	v62 =	vld [tilespmem:s16+$0x600];
	v2 =	vadd.s32 v2, v57  }
0x138: {  	v63 =	vld [tilespmem:s16+$0x700];
	v2 =	vadd.s32 v2, v58  }
0x139: {  	v1 =	vor.u32 s15, v1;
	v2 =	vadd.s32 v2, v59  }
0x13a: {  	v2 =	vadd.s32 v2, v60  }
0x13b: {  	v2 =	vadd.s32 v2, v61  }
0x13c: {  	v2 =	vadd.s32 v2, v62  }
0x13d: {  	s31 =	spop (v2sf);
	v2 =	vadd.s32 v2, v63  }
0x13e: {  	[tilespmem:v1+s11+$0x0] =	vst.idx.msk $0xffff, v2;
	s11 =	ssub.s32 s31, s14  }
0x13f: {  	s11 =	sadd.s32 s12, s11  }
0x140: {  	p0 =	sgt.s32 s11, $0x0  }
.Ltmp19:
0x141: {  	_ = 	snop;
	(pc) =	sbr.rel @!p0 .LBB2_37-.Ltmp19, $2  }
0x142: {  	_ =	sdelay $0x2  }
0x143: {  	s15 =	simm.s32 $0x0;
	s14 =	simm.s32 $0x100  }
0x144: {  	s16 =	simm.s32 $0x10480;
	s12 =	simm.s32 $0x0  }
.LBB2_39:
0x145: {  	s14 =	sadd.s32 $0xFFFFFFFF, s14  }
0x146: {  	v0 =	vmov s14;
	_ =	sdelay $0x4  }
0x147: {  	v0 =	vld.idx.msk [tilespmem:v0+s16+$0x0], $0xffff;
	_ =	sdelay $0x4  }
0x148: {  	(v2sf) =	vpush v0, $0x0;
	_ =	sdelay $0xe  }
0x149: {  	s17 =	spop (v2sf)  }
0x14a: {  	s12 =	sadd.s32 s12, s17  }
0x14b: {  	p0 =	slt.s32 s12, s11  }
.Ltmp20:
0x14c: {  	_ = 	snop;
	(pc) =	sbr.rel @p0 .LBB2_39-.Ltmp20, $1  }
0x14d: {  	_ =	sdelay $0x3  }
.Ltmp21:
0x14e: {  	_ = 	snop;
	(pc) =	sbr.rel .LBB2_40-.Ltmp21, $1  }
0x14f: {  	_ =	sdelay $0x3  }
.LBB2_37:
0x150: {  	s12 =	simm.s32 $0x0  }
.LBB2_40:
0x151: {  	v0 =	vmov s14;
	_ =	sdelay $0x3  }
0x152: {  	s16 =	simm.s32 $0x10480;
	v2 =	vlaneseq.u32  }
0x153: {  	v1 =	vimm.s32 $0x0;
	s17 =	simm.s32 $0x10;
	v3 =	vor.u32 s15, v2;
	v0 =	vld.idx.msk [tilespmem:v0+s16+$0x0], $0xffff;
	s16 =	simm.s32 $0xF480  }
.LBB2_41:
0x154: {  	p0 =	seq.s32 s17, $0xFF0  }
.Ltmp22:
0x155: {  	_ = 	snop;
	(pc) =	sbr.rel @!p0 .LBB2_41-.Ltmp22, $3  }
0x156: {  	_ =	sdelay $0x1  }
0x157: {  	[tilespmem:v3+s16+$0x0] =	vst.idx.msk $0xffff, v1;
	s15 =	smov.u32 s17;
	s17 =	sadd.s32 $0x10, s17  }
0x158: {  	v3 =	vor.u32 s15, v2  }
0x159: {  	_ =	sdelay $0x2  }
0x15a: {  	s13 =	sshll.u32 s13, $0x8  }
0x15b: {  	[tilespmem:v3+s16+$0x0] =	vst.idx.msk $0xffff, v1;
	v1 =	vlaneseq.u32;
	s13 =	sor.u32 s13, s14  }
0x15c: {  	v4 =	vimm.s32 $0x1;
	s15 =	simm.s32 $0xF480;
	s16 =	simm.s32 $0x0;
	s14 =	simm.s32 $0x0;
	v3 =	vor.u32 $0xFF8, v1;
	v2 =	vmov s13  }
.LBB2_43:
0x15d: {  	s17 =	sshra.s32 s16, $0x2  }
0x15e: {  	v5 =	vld [tilespmem:s17+$0x0];
	_ =	sdelay $0x4  }
0x15f: {  	v6 =	vshra.s32 v5, $0x1F  }
0x160: {  	v6 =	vor.u32 $0x80000000, v6  }
0x161: {  	v5 =	vxor.u32 v5, v6  }
0x162: {  	v6 =	vshll.u32 v5, $0x4;
	v5 =	vshrl.u32 v5, $0x8  }
0x163: {  	v6 =	vor.u32 v1, v6;
	vm0 =	veq.s32 v5, v2  }
0x164: {  	p0 =	sne.s32 s16, $0x3D1C0;
	v5 =	vand.u32 v3, v6  }
.Ltmp23:
0x165: {  	_ = 	snop;
	(pc) =	sbr.rel @p0 .LBB2_43-.Ltmp23, $2  }
0x166: {  	_ =	sdelay $0x2  }
0x167: {  	s16 =	sadd.s32 $0x40, s16;
	[tilespmem:v5+s15+$0x0] =	vst.idx.add.s32.msk vm0, v4  }
0x168: {  	v1 =	vlaneseq.u32  }
0x169: {  	s15 =	simm.s32 $0xF480;
	s16 =	simm.s32 $0x10480;
	v2 =	vmul.u32 $0x10, v1  }
.LBB2_45:
0x16a: {  	s17 =	sshll.u32 s14, $0x8;
	s18 =	simm.s32 $0x0  }
0x16b: {  	s18 =	sor.u32 s17, s18  }
0x16c: {  	v4 =	vor.u32 s18, v2;
	_ =	sdelay $0x2  }
0x16d: {  	s31 =	simm.s32 $0x1  }
0x16e: {  	s19 =	sor.u32 s17, s31  }
0x16f: {  	v3 =	vimm.s32 $0x0;
	s18 =	simm.s32 $0x2;
	v5 =	vor.u32 s19, v2;
	v4 =	vld.idx.msk [tilespmem:v4+s15+$0x0], $0xffff  }
.LBB2_46:
0x170: {  	p0 =	sne.s32 s18, $0xF  }
.Ltmp24:
0x171: {  	_ = 	snop;
	(pc) =	sbr.rel @p0 .LBB2_46-.Ltmp24, $3  }
0x172: {  	_ =	sdelay $0x1  }
0x173: {  	s19 =	sor.u32 s17, s18;
	s18 =	sadd.s32 $0x1, s18;
	v3 =	vadd.s32 v3, v4;
	v4 =	vld.idx.msk [tilespmem:v5+s15+$0x0], $0xffff  }
0x174: {  	v5 =	vor.u32 s19, v2  }
0x175: {  	_ =	sdelay $0x3  }
0x176: {  	v5 =	vld.idx.msk [tilespmem:v5+s15+$0x0], $0xffff;
	s17 =	sshll.u32 s14, $0x4;
	s14 =	sadd.s32 $0x1, s14  }
0x177: {  	v6 =	vor.u32 s17, v1;
	p0 =	sne.s32 s14, $0x10  }
.Ltmp25:
0x178: {  	_ = 	snop;
	(pc) =	sbr.rel @p0 .LBB2_45-.Ltmp25, $4  }
0x179: {  	_ = 	snop  }
0x17a: {  	v3 =	vadd.s32 v3, v4  }
0x17b: {  	v3 =	vadd.s32 v3, v5  }
0x17c: {  	[tilespmem:v6+s16+$0x0] =	vst.idx.msk $0xffff, v3  }
0x17d: {  	s14 =	simm.s32 $0x10480;
	s31 =	simm.s32 $0x2  }
0x17e: {  	[spmem:s8] =	stream.linear.scatter [tilespmem:s14], [sflag:$0x2], $0x100, $0x38;
	[tilespmem:$0x11D00] =	vst v63  }
0x17f: {  	_ =	swait.ge [sflag:s31], $0x100  }
0x180: {  	[sflag:s31] =	ssyncset.done $0x0  }
0x181: {  	[sflag:s31] =	ssyncadd.s32 $0xFFFFFF00  }
0x182: {  	s15 =	simm.s32 $0x10580;
	[bflag:$0x0] =	sbarrier.arrive $0xFFFF  }
0x183: {  	[tilespmem:s15], [sflag:$0x2] =	stream.linear.gather [spmem:s7], $0x1000, $0x38;
	[tilespmem:$0x11D00] =	vst v63  }
0x184: {  	_ =	swait.ge [sflag:s31], $0x1000  }
0x185: {  	[sflag:s31] =	ssyncset.done $0x0  }
0x186: {  	[sflag:s31] =	ssyncadd.s32 $0xFFFFF000  }
0x187: {  	s8 =	simm.s32 $0x10D80;
	[bflag:$0x0] =	sbarrier.arrive $0xFFFF  }
0x188: {  	v2 =	vld [tilespmem:s8+$0xFFFFF900]  }
0x189: {  	v1 =	vlaneseq.u32;
	s7 =	simm.s32 $0x0;
	s15 =	simm.s32 $0x10;
	v3 =	vld [tilespmem:s8+$0xFFFFF800]  }
.LBB2_49:
0x18a: {  	p0 =	seq.s32 s15, $0xF0;
	v4 =	vld [tilespmem:s8+$0xFFFFFA00]  }
0x18b: {  	v5 =	vld [tilespmem:s8+$0xFFFFFB00]  }
0x18c: {  	v6 =	vld [tilespmem:s8+$0xFFFFFC00]  }
0x18d: {  	v7 =	vld [tilespmem:s8+$0xFFFFFD00]  }
0x18e: {  	v2 =	vadd.s32 v3, v2;
	v3 =	vld [tilespmem:s8+$0xFFFFFE00]  }
0x18f: {  	v2 =	vadd.s32 v2, v4;
	v4 =	vld [tilespmem:s8+$0xFFFFFF00]  }
0x190: {  	v2 =	vadd.s32 v2, v5;
	v5 =	vld [tilespmem:s8+$0x0]  }
0x191: {  	v2 =	vadd.s32 v2, v6;
	v6 =	vld [tilespmem:s8+$0x100]  }
0x192: {  	v2 =	vadd.s32 v2, v7;
	v7 =	vld [tilespmem:s8+$0x200]  }
0x193: {  	v2 =	vadd.s32 v2, v3;
	v3 =	vld [tilespmem:s8+$0x300]  }
0x194: {  	v2 =	vadd.s32 v2, v4;
	v4 =	vld [tilespmem:s8+$0x400]  }
0x195: {  	v2 =	vadd.s32 v2, v5;
	v5 =	vld [tilespmem:s8+$0x500]  }
0x196: {  	v2 =	vadd.s32 v2, v6;
	v6 =	vld [tilespmem:s8+$0x600]  }
0x197: {  	v2 =	vadd.s32 v2, v7;
	v7 =	vld [tilespmem:s8+$0x700]  }
0x198: {  	v2 =	vadd.s32 v2, v3;
	v3 =	vor.u32 s7, v1;
	s7 =	smov.u32 s15  }
0x199: {  	v2 =	vadd.s32 v2, v4  }
0x19a: {  	v2 =	vadd.s32 v2, v5  }
.Ltmp26:
0x19b: {  	v2 =	vadd.s32 v2, v6;
	(pc) =	sbr.rel @!p0 .LBB2_49-.Ltmp26, $4  }
0x19c: {  	v2 =	vadd.s32 v2, v7  }
0x19d: {  	s8 =	sadd.s32 $0x10, s8;
	[tilespmem:v3+s14+$0x0] =	vst.idx.msk $0xffff, v2  }
0x19e: {  	v2 =	vld [tilespmem:s8+$0xFFFFF900]  }
0x19f: {  	s15 =	sadd.s32 $0x10, s15;
	v3 =	vld [tilespmem:s8+$0xFFFFF800]  }
0x1a0: {  	(v2sf) =	vpush v0, $0x0;
	_ =	sdelay $0x3  }
0x1a1: {  	v4 =	vld [tilespmem:s8+$0xFFFFFA00]  }
0x1a2: {  	v5 =	vld [tilespmem:s8+$0xFFFFFB00]  }
0x1a3: {  	v6 =	vld [tilespmem:s8+$0xFFFFFC00]  }
0x1a4: {  	v7 =	vld [tilespmem:s8+$0xFFFFFD00]  }
0x1a5: {  	v54 =	vld [tilespmem:s8+$0xFFFFFE00];
	v2 =	vadd.s32 v3, v2  }
0x1a6: {  	v55 =	vld [tilespmem:s8+$0xFFFFFF00];
	v2 =	vadd.s32 v2, v4  }
0x1a7: {  	v56 =	vld [tilespmem:s8+$0x0];
	v2 =	vadd.s32 v2, v5  }
0x1a8: {  	v57 =	vld [tilespmem:s8+$0x100];
	v2 =	vadd.s32 v2, v6  }
0x1a9: {  	v58 =	vld [tilespmem:s8+$0x200];
	v2 =	vadd.s32 v2, v7  }
0x1aa: {  	v59 =	vld [tilespmem:s8+$0x300];
	v2 =	vadd.s32 v2, v54  }
0x1ab: {  	v60 =	vld [tilespmem:s8+$0x400];
	v2 =	vadd.s32 v2, v55  }
0x1ac: {  	v61 =	vld [tilespmem:s8+$0x500];
	v2 =	vadd.s32 v2, v56;
	s31 =	spop (v2sf)  }
0x1ad: {  	v62 =	vld [tilespmem:s8+$0x600];
	v1 =	vor.u32 s7, v1;
	v2 =	vadd.s32 v2, v57;
	s7 =	ssub.s32 s31, s12  }
0x1ae: {  	v63 =	vld [tilespmem:s8+$0x700];
	v2 =	vadd.s32 v2, v58;
	s7 =	sadd.s32 s11, s7  }
0x1af: {  	v2 =	vadd.s32 v2, v59;
	p0 =	sgt.s32 s7, $0x0  }
.Ltmp27:
0x1b0: {  	v2 =	vadd.s32 v2, v60;
	(pc) =	sbr.rel @!p0 .LBB2_51-.Ltmp27, $4  }
0x1b1: {  	v2 =	vadd.s32 v2, v61  }
0x1b2: {  	v2 =	vadd.s32 v2, v62  }
0x1b3: {  	v2 =	vadd.s32 v2, v63  }
0x1b4: {  	s12 =	simm.s32 $0x0;
	s11 =	simm.s32 $0x100;
	[tilespmem:v1+s14+$0x0] =	vst.idx.msk $0xffff, v2  }
0x1b5: {  	s14 =	simm.s32 $0x10480;
	s8 =	simm.s32 $0x0  }
.LBB2_53:
0x1b6: {  	s11 =	sadd.s32 $0xFFFFFFFF, s11  }
0x1b7: {  	v0 =	vmov s11;
	_ =	sdelay $0x4  }
0x1b8: {  	v0 =	vld.idx.msk [tilespmem:v0+s14+$0x0], $0xffff;
	_ =	sdelay $0x4  }
0x1b9: {  	(v2sf) =	vpush v0, $0x0;
	_ =	sdelay $0xe  }
0x1ba: {  	s15 =	spop (v2sf)  }
0x1bb: {  	s8 =	sadd.s32 s8, s15  }
0x1bc: {  	p0 =	slt.s32 s8, s7  }
.Ltmp28:
0x1bd: {  	_ = 	snop;
	(pc) =	sbr.rel @p0 .LBB2_53-.Ltmp28, $1  }
0x1be: {  	_ =	sdelay $0x3  }
.Ltmp29:
0x1bf: {  	_ = 	snop;
	(pc) =	sbr.rel .LBB2_54-.Ltmp29, $1  }
0x1c0: {  	_ =	sdelay $0x3  }
.LBB2_51:
0x1c1: {  	s8 =	simm.s32 $0x0  }
.LBB2_54:
0x1c2: {  	s14 =	simm.s32 $0x0  }
0x1c3: {  	v4 =	vld [tilespmem:s14+$0x0];
	_ =	sdelay $0x4  }
0x1c4: {  	s13 =	sshll.u32 s13, $0x8;
	v0 =	vshra.s32 v4, $0x1F  }
0x1c5: {  	s13 =	sor.u32 s13, s11;
	v0 =	vor.u32 $0x80000000, v0  }
0x1c6: {  	v1 =	vmov s13;
	v0 =	vxor.u32 v4, v0  }
0x1c7: {  	v2 =	vimm.s32 $0x0;
	vm0 =	veq.s32 v0, v1  }
0x1c8: {  	vm1 =	vgt.u32 v0, v1;
	v0 =	vsel vm0, $0x1, v2  }
0x1c9: {  	v3 =	vsel vm1, $0x1, v2;
	(xrf0) =	vadd.scan.msk.s32 $0xffff, v0  }
0x1ca: {  	(xrf0) =	vadd.scan.msk.s32 $0xffff, v3;
	_ =	sdelay $0x4  }
0x1cb: {  	v3, _, _ =	vpop (xrf0)  }
0x1cc: {  	v5 =	vxor.u32 $0x80000000, v3;
	v6, _, _ =	vpop (xrf0)  }
0x1cd: {  	v7 =	vxor.u32 $0x80000000, v6;
	(xrf0) =	vmax.scan.msk.u32 $0xffff, v5  }
0x1ce: {  	v5 =	vsel vm1, $0xFFFFFFFF, v2;
	(xrf0) =	vmax.scan.msk.u32 $0xffff, v7  }
0x1cf: {  	v3 =	vadd.s32 s12, v3;
	v5 =	vadd.s32 s12, v5  }
0x1d0: {  	vm2 =	vlt.s32 v3, $0x101;
	v7 =	vmov s11;
	v5 =	vadd.s32 v6, v5  }
0x1d1: {  	vm0 =	vmand vm0, vm2  }
0x1d2: {  	v8 =	vsub.s32 v3, v0  }
0x1d3: {  	v6, _, _ =	vpop (xrf0)  }
0x1d4: {  	s29 =	simm.s32 $0x10480;
	s15 =	simm.s32 $0x11580;
	v3 =	vlaneseq.u32;
	v0, _, _ =	vpop (xrf0);
	(v2sf) =	vpush v6, $0xF  }
0x1d5: {  	s13 =	simm.s32 $0x11690;
	v6 =	vor.u32 s10, v3;
	(v2sf) =	vpush v0, $0xF;
	v0 =	vld.idx.msk [tilespmem:v7+s29+$0x0], $0xffff;
	[tilespmem:v5+s15+$0x0] =	vst.idx.msk vm1, v4  }
0x1d6: {  	s16 =	simm.s32 $0x117A0;
	[tilespmem:v5+s13+$0x0] =	vst.idx.msk vm1, v6  }
0x1d7: {  	s14 =	simm.s32 $0x118B0;
	[tilespmem:v8+s16+$0x0] =	vst.idx.msk vm0, v4  }
0x1d8: {  	s30 =	simm.s32 $0x10;
	[tilespmem:v8+s14+$0x0] =	vst.idx.msk vm0, v6  }
0x1d9: {  	v4 =	vld [tilespmem:s30+$0x0];
	_ =	sdelay $0x4  }
0x1da: {  	v5 =	vshra.s32 v4, $0x1F  }
0x1db: {  	v5 =	vor.u32 $0x80000000, v5  }
0x1dc: {  	v5 =	vxor.u32 v4, v5  }
0x1dd: {  	vm1 =	veq.s32 v5, v1  }
0x1de: {  	vm0 =	vgt.u32 v5, v1;
	v5 =	vsel vm1, $0x1, v2  }
0x1df: {  	v7 =	vsel vm0, $0x1, v2;
	(xrf0) =	vadd.scan.msk.s32 $0xffff, v5  }
0x1e0: {  	s18 =	simm.s32 $0x100;
	p0 =	por $0x1, $0x1;
	s31 =	spop (v2sf);
	(xrf0) =	vadd.scan.msk.s32 $0xffff, v7  }
0x1e1: {  	s18 =	simm.s32 @!p0 $0x0;
	s11 =	sxor.u32 $0x80000000, s31;
	s17 =	spop (v2sf)  }
0x1e2: {  	s20 =	simm.s32 $0x80;
	p0 =	slt.s32 s11, s18;
	s19 =	sadd.s32 $0x0, s17  }
0x1e3: {  	v6 =	vsel vm0, $0xFFFFFFFF, v2;
	s17 =	sadd.s32 $0x0, s11;
	s18 =	smov.u32 @p0 s11;
	s11 =	sadd.s32 $0x80000000, s19  }
.LBB2_55:
0x1e4: {  	s12 =	sadd.s32 s12, s18  }
0x1e5: {  	v7, _, _ =	vpop (xrf0);
	s10 =	sadd.s32 $0x10, s10;
	s21 =	smov.u32 s20;
	s19 =	sadd.s32 $0x40, s20  }
0x1e6: {  	p0 =	sne.s32 s20, $0x3D1C0;
	v6 =	vadd.s32 s11, v6;
	v8 =	vadd.s32 s12, v7;
	v7 =	vxor.u32 $0x80000000, v7;
	s18 =	ssub.s32 $0x100, s12;
	v9, _, _ =	vpop (xrf0)  }
0x1e7: {  	v6 =	vadd.s32 v9, v6;
	v9 =	vxor.u32 $0x80000000, v9;
	vm2 =	vlt.s32 v8, $0x101;
	p1 =	sgt.s32 s18, $0x0;
	(xrf0) =	vmax.scan.msk.u32 $0xffff, v7  }
0x1e8: {  	vm1 =	vmand vm1, vm2;
	(xrf0) =	vmax.scan.msk.u32 $0xffff, v9  }
0x1e9: {  	v5 =	vsub.s32 v8, v5;
	_ =	sdelay $0x2  }
0x1ea: {  	v7 =	vor.u32 s10, v3;
	[tilespmem:v6+s15+$0x0] =	vst.idx.msk vm0, v4  }
0x1eb: {  	[tilespmem:v6+s13+$0x0] =	vst.idx.msk vm0, v7;
	v6, _, _ =	vpop (xrf0)  }
0x1ec: {  	[tilespmem:v5+s16+$0x0] =	vst.idx.msk vm1, v4;
	v4, _, _ =	vpop (xrf0);
	(v2sf) =	vpush v6, $0xF  }
0x1ed: {  	[tilespmem:v5+s14+$0x0] =	vst.idx.msk vm1, v7;
	(v2sf) =	vpush v4, $0xF  }
0x1ee: {  	s20 =	sshra.s32 s21, $0x2  }
0x1ef: {  	v4 =	vld [tilespmem:s20+$0x0];
	_ =	sdelay $0x4  }
0x1f0: {  	v5 =	vshra.s32 v4, $0x1F  }
0x1f1: {  	v5 =	vor.u32 $0x80000000, v5  }
0x1f2: {  	v5 =	vxor.u32 v4, v5  }
0x1f3: {  	vm0 =	vgt.u32 v5, v1;
	vm1 =	veq.s32 v5, v1  }
0x1f4: {  	v6 =	vsel vm0, $0xFFFFFFFF, v2;
	v7 =	vsel vm0, $0x1, v2;
	v5 =	vsel vm1, $0x1, v2  }
0x1f5: {  	(xrf0) =	vadd.scan.msk.s32 $0xffff, v5  }
.Ltmp30:
0x1f6: {  	(xrf0) =	vadd.scan.msk.s32 $0xffff, v7;
	(pc) =	sbr.rel @p0 .LBB2_55-.Ltmp30, $4  }
0x1f7: {  	s20 =	spop (v2sf)  }
0x1f8: {  	s18 =	simm.s32 @!p1 $0x0;
	s20 =	sxor.u32 $0x80000000, s20;
	s21 =	spop (v2sf)  }
0x1f9: {  	p1 =	slt.s32 s20, s18;
	s11 =	sadd.s32 s21, s11;
	s17 =	sadd.s32 s17, s20  }
0x1fa: {  	s18 =	smov.u32 @p1 s20;
	s11 =	sadd.s32 $0x80000000, s11;
	s20 =	smov.u32 s19  }
0x1fb: {  	v1, _, _ =	vpop (xrf0)  }
0x1fc: {  	v2 =	vxor.u32 $0x80000000, v1  }
0x1fd: {  	(xrf0) =	vmax.scan.msk.u32 $0xffff, v2;
	_ =	sdelay $0x4  }
0x1fe: {  	v2, _, _ =	vpop (xrf0)  }
0x1ff: {  	v63 =	vxor.u32 $0x80000000, v2;
	v7, _, _ =	vpop (xrf0)  }
0x200: {  	(xrf0) =	vmax.scan.msk.u32 $0xffff, v63;
	(v2sf) =	vpush v7, $0xF;
	_ =	sdelay $0x5  }
0x201: {  	v7, _, _ =	vpop (xrf0)  }
0x202: {  	(v2sf) =	vpush v7, $0xF;
	_ =	sdelay $0x1  }
0x203: {  	s12 =	sadd.s32 s12, s18  }
0x204: {  	v6 =	vadd.s32 s11, v6;
	v1 =	vadd.s32 s12, v1  }
0x205: {  	vm2 =	vlt.s32 v1, $0x101;
	v2 =	vadd.s32 v2, v6  }
0x206: {  	vm1 =	vmand vm1, vm2  }
0x207: {  	v1 =	vsub.s32 v1, v5;
	_ =	sdelay $0x1  }
0x208: {  	s10 =	sadd.s32 $0x10, s10;
	s22 =	spop (v2sf)  }
0x209: {  	v3 =	vor.u32 s10, v3;
	[tilespmem:v2+s15+$0x0] =	vst.idx.msk vm0, v4;
	s23 =	sxor.u32 $0x80000000, s22  }
0x20a: {  	[tilespmem:v2+s13+$0x0] =	vst.idx.msk vm0, v3;
	s10 =	sadd.s32 s17, s23  }
0x20b: {  	vm15 =	vcmask $0x300;
	[tilespmem:v1+s16+$0x0] =	vst.idx.msk vm1, v4;
	v2 =	vmov s10  }
0x20c: {  	[tilespmem:v1+s14+$0x0] =	vst.idx.msk vm1, v3;
	v1 =	vnsel vm15, $0x0, v2  }
0x20d: {  	s24 =	simm.s32 $0x11AC0;
	s12 =	simm.s32 $0x0;
	[tilespmem:$0x11AC0] =	vst v1  }
0x20e: {  	[spmem:s9] =	stream.linear.scatter [tilespmem:s24], [sflag:$0x2], $0x10, $0x38;
	[tilespmem:$0x11D00] =	vst v63  }
0x20f: {  	s25 =	simm.s32 $0x2;
	v1 =	vmov s12;
	s9 =	spop (v2sf)  }
0x210: {  	v1 =	vshrl.u32 v1, $0x3;
	_ =	swait.ge [sflag:s25], $0x10  }
0x211: {  	v1 =	vshll.u32 v1, $0x3;
	[sflag:s25] =	ssyncset.done $0x0  }
0x212: {  	v1 =	vbroadcast v1, $0x0;
	[sflag:s25] =	ssyncadd.s32 $0xFFFFFFF0  }
0x213: {  	s13 =	simm.s32 $0x10580;
	[bflag:$0x0] =	sbarrier.arrive $0xFFFF  }
0x214: {  	[tilespmem:s13], [sflag:$0x2] =	stream.linear.gather [spmem:s6], $0x100, $0x38;
	[tilespmem:$0x11D00] =	vst v63  }
0x215: {  	_ =	swait.ge [sflag:s25], $0x100  }
0x216: {  	[sflag:s25] =	ssyncset.done $0x0  }
0x217: {  	[sflag:s25] =	ssyncadd.s32 $0xFFFFFF00  }
0x218: {  	v1 =	vld.idx.msk [tilespmem:v1+s13+$0x0], $0xffff;
	_ =	sdelay $0x3  }
0x219: {  	s26 =	simm.s32 $0x10  }
0x21a: {  	s28 =	simm.s32 $0x20;
	(v2sf) =	vpush v1, $0x0;
	v1 =	vmov s26  }
0x21b: {  	v2 =	vmov s28;
	v1 =	vshrl.u32 v1, $0x3  }
0x21c: {  	v2 =	vshrl.u32 v2, $0x3;
	v1 =	vshll.u32 v1, $0x3  }
0x21d: {  	v2 =	vshll.u32 v2, $0x3;
	v1 =	vbroadcast v1, $0x0  }
0x21e: {  	v2 =	vbroadcast v2, $0x0;
	_ =	sdelay $0x4  }
0x21f: {  	v1 =	vld.idx.msk [tilespmem:v1+s13+$0x0], $0xffff  }
0x220: {  	v4 =	vld.idx.msk [tilespmem:v2+s13+$0x0], $0xffff  }
0x221: {  	s29 =	simm.s32 $0x30  }
0x222: {  	v3 =	vmov s29  }
0x223: {  	v3 =	vshrl.u32 v3, $0x3  }
0x224: {  	v3 =	vshll.u32 v3, $0x3;
	(v2sf) =	vpush v1, $0x0  }
0x225: {  	v3 =	vbroadcast v3, $0x0;
	s21 =	spop (v2sf);
	(v2sf) =	vpush v4, $0x0  }
0x226: {  	s31 =	simm.s32 $0x40  }
0x227: {  	v2 =	vmov s31  }
0x228: {  	v2 =	vshrl.u32 v2, $0x3  }
0x229: {  	v1 =	vshll.u32 v2, $0x3  }
0x22a: {  	s18 =	simm.s32 $0x2;
	s19 =	simm.s32 $0x50;
	v2 =	vbroadcast v1, $0x0  }
0x22b: {  	p0 =	sgt.u32 s3, $0x0;
	s20 =	simm.s32 $0x6;
	s15 =	simm.s32 $0x3;
	v1 =	vld.idx.msk [tilespmem:v3+s13+$0x0], $0xffff  }
0x22c: {  	v5 =	vmov s19;
	s16 =	simm.s32 $0x5;
	s14 =	simm.s32 $0x4;
	s30 =	sadd.s32 s9, s11  }
0x22d: {  	s17 =	simm.s32 $0x1;
	s6 =	sadd.s32 $0x80000000, s30;
	v3 =	vshrl.u32 v5, $0x3;
	s21 =	simm.s32 @!p0 $0x0  }
.LBB2_57:
0x22e: {  	p0 =	sne.s32 s20, $0xF;
	s12 =	sadd.s32 s12, s21;
	s22 =	smov.u32 s14  }
0x22f: {  	v3 =	vshll.u32 v3, $0x3;
	s14 =	smov.u32 s16;
	s16 =	smov.u32 s20;
	s20 =	sadd.s32 $0x1, s20  }
.Ltmp31:
0x230: {  	(v2sf) =	vpush v1, $0x0;
	v1 =	vld.idx.msk [tilespmem:v2+s13+$0x0], $0xffff;
	v2 =	vbroadcast v3, $0x0;
	(pc) =	sbr.rel @p0 .LBB2_57-.Ltmp31, $4  }
0x231: {  	_ = 	snop  }
0x232: {  	s19 =	sadd.s32 $0x10, s19  }
0x233: {  	p1 =	slt.u32 s17, s3;
	s17 =	smov.u32 s18;
	v3 =	vmov s19;
	s21 =	spop (v2sf)  }
0x234: {  	s18 =	smov.u32 s15;
	s15 =	smov.u32 s22;
	v3 =	vshrl.u32 v3, $0x3;
	s21 =	simm.s32 @!p1 $0x0  }
0x235: {  	v3 =	vshll.u32 v3, $0x3  }
0x236: {  	v3 =	vbroadcast v3, $0x0;
	_ =	sdelay $0x4  }
0x237: {  	v2 =	vld.idx.msk [tilespmem:v2+s13+$0x0], $0xffff  }
0x238: {  	v3 =	vld.idx.msk [tilespmem:v3+s13+$0x0], $0xffff;
	_ =	sdelay $0x1  }
0x239: {  	(v2sf) =	vpush v1, $0x0;
	_ =	sdelay $0x1  }
0x23a: {  	(v2sf) =	vpush v2, $0x0  }
0x23b: {  	(v2sf) =	vpush v3, $0x0;
	_ =	sdelay $0x1  }
0x23c: {  	(v2sf) =	vpush v0, $0x0;
	_ =	sdelay $0x6  }
0x23d: {  	p0 =	slt.u32 s17, s3;
	s13 =	spop (v2sf)  }
0x23e: {  	s12 =	sadd.s32 s12, s21;
	s13 =	simm.s32 @!p0 $0x0  }
0x23f: {  	p0 =	slt.u32 s18, s3;
	s12 =	sadd.s32 s12, s13;
	s19 =	spop (v2sf)  }
0x240: {  	s19 =	simm.s32 @!p0 $0x0;
	p0 =	slt.u32 s15, s3;
	s17 =	spop (v2sf)  }
0x241: {  	s12 =	sadd.s32 s12, s19;
	s17 =	simm.s32 @!p0 $0x0  }
0x242: {  	p0 =	slt.u32 s14, s3;
	s12 =	sadd.s32 s12, s17;
	s13 =	spop (v2sf)  }
0x243: {  	s13 =	simm.s32 @!p0 $0x0;
	p0 =	slt.u32 s16, s3;
	s14 =	spop (v2sf)  }
0x244: {  	s12 =	sadd.s32 s12, s13;
	s14 =	simm.s32 @!p0 $0x0  }
0x245: {  	s31 =	spop (v2sf);
	s12 =	sadd.s32 s12, s14  }
0x246: {  	s7 =	sadd.s32 s31, s7;
	s8 =	sadd.s32 s12, s8  }
0x247: {  	s7 =	ssub.s32 s7, s8  }
0x248: {  	p0 =	sgt.s32 s7, $0x0  }
0x249: {  	s7 =	simm.s32 @!p0 $0x0  }
0x24a: {  	p0 =	slt.s32 s10, s7  }
0x24b: {  	s7 =	smov.u32 @p0 s10  }
0x24c: {  	s13 =	sadd.s32 s6, s7  }
0x24d: {  	p0 =	slt.s32 s13, $0x1  }
.Ltmp32:
0x24e: {  	_ = 	snop;
	(pc) =	sbr.rel @p0 .LBB2_59-.Ltmp32, $1  }
0x24f: {  	_ =	sdelay $0x3  }
0x250: {  	s7 =	sadd.s32 s11, s9  }
0x251: {  	s14 =	ssub.s32 $0x80000000, s7  }
0x252: {  	s7 =	sadd.s32 $0x0, s14  }
0x253: {  	p0 =	sgt.s32 s7, $0x0  }
0x254: {  	s7 =	simm.s32 @!p0 $0x0  }
0x255: {  	s18 =	simm.s32 $0x0;
	v0 =	vmov s7  }
0x256: {  	v3 =	vmov s18;
	v2 =	vbroadcast v0, $0x0  }
0x257: {  	p1 =	sne.s32 s13, $0x1  }
.Ltmp33:
0x258: {  	_ = 	snop;
	(pc) =	sbr.rel @!p1 .LBB2_61-.Ltmp33, $4  }
0x259: {  	s12 =	simm.s32 $0x11580  }
0x25a: {  	s11 =	simm.s32 $0x117A0;
	s15 =	simm.s32 $0x11690;
	s16 =	simm.s32 $0x118B0  }
0x25b: {  	v1 =	vlaneseq.u32;
	s8 =	simm.s32 $0x119C0;
	s10 =	simm.s32 $0x11A40;
	s9 =	simm.s32 $0x1;
	v6 =	vld.idx.msk [tilespmem:v3+s15+$0x0], $0xffff  }
0x25c: {  	s17 =	simm.s32 $0x1;
	v1 =	vmul.u32 $0xF4240, v1;
	p0 =	por $0x0, $0x0;
	s7 =	simm.s32 $0x80;
	v0 =	vimm.f32 $0.0e+00;
	v5 =	vld.idx.msk [tilespmem:v2+s16+$0x0], $0xffff  }
0x25d: {  	_ =	sdelay $0x3  }
0x25e: {  	(v2sf) =	vpush v5, $0x0  }
0x25f: {  	(v2sf) =	vpush v6, $0x0;
	_ =	sdelay $0xc  }
0x260: {  	v3 =	vld.idx.msk [tilespmem:v3+s12+$0x0], $0xffff  }
0x261: {  	s18 =	spop (v2sf)  }
0x262: {  	p1 =	sgt.s32 s6, $0x0;
	v4 =	vld.idx.msk [tilespmem:v2+s11+$0x0], $0xffff;
	s19 =	spop (v2sf)  }
0x263: {  	s18 =	smov.u32 @p1 s19  }
0x264: {  	v2 =	vadd.s32 s18, v1;
	s19 =	sadd.s32 $0x6ACFC00, s18  }
0x265: {  	(v2sf) =	vpush v3, $0x0;
	s20 =	sadd.s32 $0xF42400, s18;
	[tilespmem:$0x119C0] =	vst v2;
	v2 =	vadd.s32 s19, v1  }
0x266: {  	s31 =	sadd.s32 $0x5B8D800, s18;
	v5 =	vadd.s32 s20, v1;
	[tilespmem:$0x11A30] =	vst v2  }
0x267: {  	(v2sf) =	vpush v4, $0x0;
	s29 =	sadd.s32 $0x2DC6C00, s18;
	v6 =	vadd.s32 s31, v1;
	[tilespmem:$0x119D0] =	vst v5  }
0x268: {  	s21 =	sadd.s32 $0x3D09000, s18;
	s20 =	sadd.s32 $0x1, s14;
	v2 =	vadd.s32 s29, v1;
	[tilespmem:$0x11A20] =	vst v6  }
0x269: {  	s30 =	sadd.s32 $0x4C4B400, s18;
	p0 =	sgt.s32 s20, $0x0;
	v5 =	vadd.s32 s21, v1;
	[tilespmem:$0x119F0] =	vst v2  }
0x26a: {  	s18 =	sadd.s32 $0x1E84800, s18;
	v2 =	vadd.s32 s30, v1;
	s20 =	simm.s32 @!p0 $0x0;
	[tilespmem:$0x11A00] =	vst v5  }
0x26b: {  	v5 =	vadd.s32 s18, v1;
	[tilespmem:$0x11A10] =	vst v2;
	v2 =	vmov s20  }
0x26c: {  	p2 =	sne.s32 s13, $0x2;
	v3 =	vmov s17;
	[tilespmem:$0x119E0] =	vst v5;
	v2 =	vbroadcast v2, $0x0  }
0x26d: {  	[tilespmem:s10], [sflag:$0x1] =	stream.indirect.gather [hbm4b:s4+s7], $0x1, s8, s7, $0xb8;
	[tilespmem:$0x11D00] =	vst v63  }
.Ltmp34:
0x26e: {  	_ =	swait.ge [sflag:s9], $0x80;
	(pc) =	sbr.rel @!p2 .LBB2_63-.Ltmp34, $4  }
0x26f: {  	[sflag:s9] =	ssyncset.done $0x0  }
0x270: {  	[sflag:s9] =	ssyncadd.s32 $0xFFFFFF80  }
0x271: {  	v6 =	vld.idx.msk [tilespmem:v3+s15+$0x0], $0xffff  }
0x272: {  	v4 =	vimm.f32 $0.0e+00;
	s18 =	simm.s32 $0x2;
	p0 =	por $0x1, $0x1;
	v5 =	vld.idx.msk [tilespmem:v2+s16+$0x0], $0xffff  }
.LBB2_64:
0x273: {  	v7 =	vld [tilespmem:$0x11A40];
	s19 =	smov.u32 s18;
	s18 =	sadd.s32 $0x1, s18  }
0x274: {  	p2 =	sne.s32 s13, s18;
	v8 =	vld [tilespmem:$0x11A50];
	s20 =	spop (v2sf)  }
0x275: {  	v9 =	vld [tilespmem:$0x11A60]  }
0x276: {  	v10 =	vld [tilespmem:$0x11A70];
	s21 =	spop (v2sf)  }
0x277: {  	(v2sf) =	vpush v5, $0x0;
	s21 =	smov.u32 @p1 s20;
	v5 =	vld [tilespmem:$0x11A80]  }
0x278: {  	(v2sf) =	vpush v6, $0x0;
	v6 =	vmov s21;
	v11 =	vld [tilespmem:$0x11A90]  }
0x279: {  	v7 =	vsub.f32 v7, v6;
	v8 =	vsub.f32 v8, v6;
	v12 =	vld [tilespmem:$0x11AA0]  }
0x27a: {  	v9 =	vsub.f32 v9, v6;
	v13 =	vld [tilespmem:$0x11AB0]  }
0x27b: {  	v7 =	vmul.f32 v7, v7;
	v10 =	vsub.f32 v10, v6  }
0x27c: {  	v8 =	vmul.f32 v8, v8;
	v5 =	vsub.f32 v5, v6  }
0x27d: {  	v4 =	vadd.f32 v7, v4;
	v7 =	vsub.f32 v11, v6  }
0x27e: {  	s20 =	sadd.s32 s19, s14;
	v9 =	vmul.f32 v9, v9;
	v11 =	vsub.f32 v12, v6  }
0x27f: {  	p1 =	sgt.s32 s20, $0x0;
	v4 =	vadd.f32 v8, v4;
	v6 =	vsub.f32 v13, v6  }
0x280: {  	s20 =	simm.s32 @!p1 $0x0;
	v8 =	vmul.f32 v10, v10  }
0x281: {  	v10 =	vmov s20;
	v4 =	vadd.f32 v9, v4  }
0x282: {  	v5 =	vmul.f32 v5, v5;
	v9 =	vbroadcast v10, $0x0  }
0x283: {  	v4 =	vadd.f32 v8, v4  }
0x284: {  	v7 =	vmul.f32 v7, v7;
	v3 =	vld.idx.msk [tilespmem:v3+s12+$0x0], $0xffff  }
0x285: {  	v8 =	vld.idx.msk [tilespmem:v2+s11+$0x0], $0xffff;
	v4 =	vadd.f32 v5, v4;
	v2 =	vmov v9  }
0x286: {  	v5 =	vmul.f32 v11, v11;
	s20 =	spop (v2sf)  }
0x287: {  	p1 =	slt.s32 s17, s6;
	s17 =	smov.u32 s19;
	s21 =	spop (v2sf);
	v4 =	vadd.f32 v7, v4  }
0x288: {  	v6 =	vmul.f32 v6, v6;
	s20 =	smov.u32 @p1 s21  }
0x289: {  	v7 =	vadd.s32 s20, v1;
	s19 =	sadd.s32 $0xF42400, s20;
	s21 =	sadd.s32 $0x6ACFC00, s20;
	v4 =	vadd.f32 v5, v4  }
0x28a: {  	s22 =	sadd.s32 $0x5B8D800, s20;
	[tilespmem:$0x119C0] =	vst v7;
	v5 =	vadd.s32 s19, v1;
	s19 =	sadd.s32 $0x2DC6C00, s20;
	v7 =	vadd.s32 s21, v1;
	(v2sf) =	vpush v3, $0x0  }
0x28b: {  	s21 =	sadd.s32 $0x1E84800, s20;
	v9 =	vadd.s32 s22, v1;
	v3 =	vadd.s32 s19, v1;
	s19 =	sadd.s32 $0x3D09000, s20;
	[tilespmem:$0x11A30] =	vst v7;
	v4 =	vadd.f32 v6, v4  }
0x28c: {  	[tilespmem:$0x119D0] =	vst v5;
	v5 =	vadd.s32 s21, v1;
	v6 =	vadd.s32 s19, v1;
	s19 =	sadd.s32 $0x4C4B400, s20;
	(v2sf) =	vpush v8, $0x0  }
0x28d: {  	[tilespmem:$0x119F0] =	vst v3;
	v3 =	vadd.s32 s19, v1  }
0x28e: {  	[tilespmem:$0x11A10] =	vst v3  }
0x28f: {  	[tilespmem:$0x11A00] =	vst v6  }
0x290: {  	[tilespmem:$0x11A20] =	vst v9  }
0x291: {  	[tilespmem:$0x119E0] =	vst v5  }
0x292: {  	v3 =	vmov s17;
	[tilespmem:s10], [sflag:$0x1] =	stream.indirect.gather [hbm4b:s4+s7], $0x1, s8, s7, $0xb8;
	[tilespmem:$0x11D00] =	vst v63  }
.Ltmp35:
0x293: {  	_ =	swait.ge [sflag:s9], $0x80;
	(pc) =	sbr.rel @p2 .LBB2_64-.Ltmp35, $4  }
0x294: {  	[sflag:s9] =	ssyncset.done $0x0  }
0x295: {  	[sflag:s9] =	ssyncadd.s32 $0xFFFFFF80  }
0x296: {  	v5 =	vld.idx.msk [tilespmem:v2+s16+$0x0], $0xffff  }
0x297: {  	v6 =	vld.idx.msk [tilespmem:v3+s15+$0x0], $0xffff  }
0x298: {  	s18 =	smov.u32 s17  }
.LBB2_66:
0x299: {  	_ =	sdelay $0x1  }
0x29a: {  	(v2sf) =	vpush v5, $0x0  }
0x29b: {  	(v2sf) =	vpush v6, $0x0;
	_ =	sdelay $0xa  }
0x29c: {  	v3 =	vld.idx.msk [tilespmem:v3+s12+$0x0], $0xffff  }
0x29d: {  	s12 =	spop @p0 (v2sf);
	v2 =	vld.idx.msk [tilespmem:v2+s11+$0x0], $0xffff  }
0x29e: {  	s11 =	spop @p0 (v2sf);
	v5 =	vld @p0 [tilespmem:$0x11A40]  }
0x29f: {  	s13 =	spop (v2sf)  }
0x2a0: {  	p2 =	por !p1, !p0;
	p1 =	slt.s32 s18, s6;
	v6 =	vld @p0 [tilespmem:$0x11A50];
	s6 =	spop (v2sf)  }
0x2a1: {  	v7 =	vld @p0 [tilespmem:$0x11A60];
	s12 =	smov.u32 @p2 s11;
	(v2sf) =	vpush v3, $0x0;
	s13 =	smov.u32 @p1 s6  }
0x2a2: {  	v3 =	vmov @p0 s12;
	(v2sf) =	vpush v2, $0x0;
	v8 =	vadd.s32 s13, v1;
	s6 =	sadd.s32 $0x6ACFC00, s13  }
0x2a3: {  	v5 =	vsub.f32 @p0 v5, v3;
	s25 =	sadd.s32 $0xF42400, s13;
	[tilespmem:$0x119C0] =	vst v8;
	v55 =	vadd.s32 s6, v1  }
0x2a4: {  	v2 =	vld @p0 [tilespmem:$0x11A70];
	s26 =	sadd.s32 $0x2DC6C00, s13;
	v9 =	vadd.s32 s25, v1;
	[tilespmem:$0x11A30] =	vst v55  }
0x2a5: {  	v6 =	vsub.f32 @p0 v6, v3;
	v5 =	vmul.f32 @p0 v5, v5;
	s28 =	sadd.s32 $0x4C4B400, s13;
	v56 =	vadd.s32 s26, v1;
	[tilespmem:$0x119D0] =	vst v9  }
0x2a6: {  	v7 =	vsub.f32 @p0 v7, v3;
	s29 =	sadd.s32 $0x3D09000, s13;
	v57 =	vadd.s32 s28, v1;
	v9 =	vld @p0 [tilespmem:$0x11A80];
	[tilespmem:$0x119F0] =	vst v56  }
0x2a7: {  	v6 =	vmul.f32 @p0 v6, v6;
	v4 =	vadd.f32 @p0 v5, v4;
	s30 =	sadd.s32 $0x5B8D800, s13;
	v58 =	vadd.s32 s29, v1;
	[tilespmem:$0x11A10] =	vst v57  }
0x2a8: {  	v7 =	vmul.f32 @p0 v7, v7;
	s31 =	sadd.s32 $0x1E84800, s13;
	v8 =	vld @p0 [tilespmem:$0x11A90];
	v10 =	vadd.s32 s30, v1;
	[tilespmem:$0x11A00] =	vst v58  }
0x2a9: {  	v2 =	vsub.f32 @p0 v2, v3;
	v4 =	vadd.f32 @p0 v6, v4;
	v1 =	vadd.s32 s31, v1;
	[tilespmem:$0x11A20] =	vst v10  }
0x2aa: {  	v5 =	vld @p0 [tilespmem:$0x11AA0];
	[tilespmem:$0x119E0] =	vst v1  }
0x2ab: {  	v6 =	vld @p0 [tilespmem:$0x11AB0];
	v2 =	vmul.f32 @p0 v2, v2;
	v4 =	vadd.f32 @p0 v7, v4;
	[tilespmem:s10], [sflag:$0x1] =	stream.indirect.gather [hbm4b:s4+s7], $0x1, s8, s7, $0xb8;
	v1 =	vsub.f32 @p0 v9, v3;
	[tilespmem:$0x11D00] =	vst v63  }
0x2ac: {  	_ =	swait.ge [sflag:s9], $0x80  }
0x2ad: {  	v2 =	vadd.f32 @p0 v2, v4;
	[sflag:s9] =	ssyncset.done $0x0;
	v7 =	vsub.f32 @p0 v8, v3;
	v1 =	vmul.f32 @p0 v1, v1  }
0x2ae: {  	[sflag:s9] =	ssyncadd.s32 $0xFFFFFF80  }
0x2af: {  	v4 =	vsub.f32 @p0 v5, v3;
	v5 =	vmul.f32 @p0 v7, v7;
	v1 =	vadd.f32 @p0 v1, v2;
	v2 =	vld [tilespmem:$0x11A40]  }
0x2b0: {  	s4 =	spop (v2sf)  }
0x2b1: {  	v4 =	vmul.f32 @p0 v4, v4;
	s6 =	spop (v2sf);
	v3 =	vsub.f32 @p0 v6, v3;
	v59 =	vld [tilespmem:$0x11A50];
	v1 =	vadd.f32 @p0 v5, v1  }
0x2b2: {  	s6 =	smov.u32 @p1 s4  }
0x2b3: {  	v60 =	vld [tilespmem:$0x11A60];
	v61 =	vmov s6;
	v3 =	vmul.f32 @p0 v3, v3;
	v1 =	vadd.f32 @p0 v4, v1  }
0x2b4: {  	v2 =	vsub.f32 v2, v61  }
0x2b5: {  	v1 =	vadd.f32 @p0 v3, v1;
	v3 =	vld [tilespmem:$0x11A70]  }
0x2b6: {  	v5 =	vsub.f32 v59, v61;
	v2 =	vmul.f32 v2, v2  }
0x2b7: {  	v0 =	vpsel p0, v1, v0;
	v1 =	vld [tilespmem:$0x11A80]  }
0x2b8: {  	v4 =	vsub.f32 v60, v61;
	v5 =	vmul.f32 v5, v5;
	v0 =	vadd.f32 v2, v0  }
0x2b9: {  	v2 =	vld [tilespmem:$0x11A90]  }
0x2ba: {  	v4 =	vmul.f32 v4, v4;
	v3 =	vsub.f32 v3, v61;
	v0 =	vadd.f32 v5, v0  }
0x2bb: {  	v62 =	vld [tilespmem:$0x11AA0]  }
0x2bc: {  	v1 =	vsub.f32 v1, v61;
	v3 =	vmul.f32 v3, v3;
	v0 =	vadd.f32 v4, v0  }
0x2bd: {  	v63 =	vld [tilespmem:$0x11AB0]  }
0x2be: {  	v2 =	vsub.f32 v2, v61;
	v1 =	vmul.f32 v1, v1;
	v0 =	vadd.f32 v3, v0;
	_ =	sdelay $0x1  }
0x2bf: {  	v3 =	vsub.f32 v62, v61;
	v2 =	vmul.f32 v2, v2;
	v0 =	vadd.f32 v1, v0;
	_ =	sdelay $0x1  }
.Ltmp36:
0x2c0: {  	v1 =	vsub.f32 v63, v61;
	v3 =	vmul.f32 v3, v3;
	v0 =	vadd.f32 v2, v0;
	(pc) =	sbr.rel .LBB2_67-.Ltmp36, $3  }
0x2c1: {  	_ = 	snop  }
0x2c2: {  	v1 =	vmul.f32 v1, v1;
	v0 =	vadd.f32 v3, v0;
	_ =	sdelay $0x1  }
0x2c3: {  	v0 =	vadd.f32 v1, v0  }
.LBB2_59:
0x2c4: {  	v0 =	vimm.f32 $0.0e+00  }
.LBB2_67:
0x2c5: {  	_ = 	snop  }
0x2c6: {  	s4 =	simm.s32 $0x11BD0;
	s31 =	simm.s32 $0x2;
	[tilespmem:$0x11BD0] =	vst v0  }
0x2c7: {  	[spmem:s5] =	stream.linear.scatter [tilespmem:s4], [sflag:$0x2], $0x10, $0x38;
	[tilespmem:$0x11D00] =	vst v63  }
0x2c8: {  	_ =	swait.ge [sflag:s31], $0x10  }
0x2c9: {  	[sflag:s31] =	ssyncset.done $0x0  }
0x2ca: {  	[sflag:s31] =	ssyncadd.s32 $0xFFFFFFF0  }
0x2cb: {  	p0 =	sne.s32 s3, $0x0;
	[bflag:$0x0] =	sbarrier.arrive $0xFFFF  }
0x2cc: {  	_ =	sfence.sel @p0 $0x180000  }
0x2cd: {  	[bflag:$0x0] =	sbarrier.arrive @p0 $0xFFFF  }
0x2ce: {  	_ =	strace @p0 $0x90000047  }
0x2cf: {  	s3 =	simm.s32 @!p0 $0x11AD0;
	[bflag:$0x2] =	sbarrier.arrive @p0 $0xFFFF  }
0x2d0: {  	[tilespmem:s3], [sflag:$0x2] =	stream.linear.gather @!p0 [spmem:s2], $0x100, $0x38;
	[tilespmem:$0x11D00] =	vst v63  }
0x2d1: {  	s2 =	simm.s32 @!p0 $0x2  }
0x2d2: {  	_ =	swait.ge @!p0 [sflag:s2], $0x100  }
0x2d3: {  	[sflag:s2] =	ssyncset.done @!p0 $0x0  }
0x2d4: {  	[sflag:s2] =	ssyncadd.s32 @!p0 $0xFFFFFF00  }
0x2d5: {  	v0 =	vld @!p0 [tilespmem:$0x11AD0];
	_ =	sdelay $0x1  }
0x2d6: {  	v1 =	vld @!p0 [tilespmem:$0x11AE0];
	_ =	sdelay $0x1  }
0x2d7: {  	v2 =	vld @!p0 [tilespmem:$0x11AF0]  }
0x2d8: {  	v0 =	vadd.f32 @!p0 $0.0e+00, v0  }
0x2d9: {  	v3 =	vld @!p0 [tilespmem:$0x11B00]  }
0x2da: {  	v0 =	vadd.f32 @!p0 v1, v0  }
0x2db: {  	v1 =	vld @!p0 [tilespmem:$0x11B10]  }
0x2dc: {  	v0 =	vadd.f32 @!p0 v2, v0  }
0x2dd: {  	v2 =	vld @!p0 [tilespmem:$0x11B20]  }
0x2de: {  	v0 =	vadd.f32 @!p0 v3, v0  }
0x2df: {  	v3 =	vld @!p0 [tilespmem:$0x11B30]  }
0x2e0: {  	v0 =	vadd.f32 @!p0 v1, v0  }
0x2e1: {  	v1 =	vld @!p0 [tilespmem:$0x11B40]  }
0x2e2: {  	v0 =	vadd.f32 @!p0 v2, v0  }
0x2e3: {  	v2 =	vld @!p0 [tilespmem:$0x11B50]  }
0x2e4: {  	v0 =	vadd.f32 @!p0 v3, v0  }
0x2e5: {  	v3 =	vld @!p0 [tilespmem:$0x11B60]  }
0x2e6: {  	v0 =	vadd.f32 @!p0 v1, v0  }
0x2e7: {  	v1 =	vld @!p0 [tilespmem:$0x11B70]  }
0x2e8: {  	v0 =	vadd.f32 @!p0 v2, v0  }
0x2e9: {  	v2 =	vld @!p0 [tilespmem:$0x11B80]  }
0x2ea: {  	v0 =	vadd.f32 @!p0 v3, v0  }
0x2eb: {  	v3 =	vld @!p0 [tilespmem:$0x11B90]  }
0x2ec: {  	v0 =	vadd.f32 @!p0 v1, v0  }
0x2ed: {  	v1 =	vld @!p0 [tilespmem:$0x11BA0]  }
0x2ee: {  	v0 =	vadd.f32 @!p0 v2, v0  }
0x2ef: {  	v2 =	vld @!p0 [tilespmem:$0x11BB0]  }
0x2f0: {  	v0 =	vadd.f32 @!p0 v3, v0  }
0x2f1: {  	v3 =	vld @!p0 [tilespmem:$0x11BC0]  }
0x2f2: {  	v0 =	vadd.f32 @!p0 v1, v0;
	_ =	sdelay $0x1  }
0x2f3: {  	v0 =	vadd.f32 @!p0 v2, v0;
	_ =	sdelay $0x1  }
0x2f4: {  	v0 =	vadd.f32 @!p0 v3, v0;
	_ =	sdelay $0x1  }
0x2f5: {  	(xrf2) =	vadd.scan.msk.f32 @!p0 $0xffff, v0;
	_ =	sdelay $0x9  }
0x2f6: {  	v0, _, _ =	vpop @!p0 (xrf2)  }
0x2f7: {  	(v2sf) =	vpush @!p0 v0, $0xF;
	_ =	sdelay $0xe  }
0x2f8: {  	s3 =	spop @!p0 (v2sf)  }
0x2f9: {  	s3 =	smul.f32 @!p0 $3.051757810e-05, s3;
	_ =	sdelay $0x1  }
0x2fa: {  	v0 =	vmov @!p0 s3  }
0x2fb: {  	s4 =	simm.s32 @!p0 $0x11BD0;
	s3 =	simm.s32 @!p0 $0x0;
	[tilespmem:$0x11BD0] =	vst @!p0 v0  }
0x2fc: {  	[hbm4b:s1+s3] =	stream.linear.scatter @!p0 [tilespmem:s4], [sflag:$0x2], $0x10, $0x38;
	[tilespmem:$0x11D00] =	vst v63  }
0x2fd: {  	_ =	swait.ge @!p0 [sflag:s2], $0x10  }
0x2fe: {  	[sflag:s2] =	ssyncset.done @!p0 $0x0  }
0x2ff: {  	[sflag:s2] =	ssyncadd.s32 @!p0 $0xFFFFFFF0  }
0x300: {  	_ =	sfence.sel @!p0 $0x180000  }
0x301: {  	[bflag:$0x0] =	sbarrier.arrive @!p0 $0xFFFF  }
0x302: {  	_ =	strace @!p0 $0x90000047  }
0x303: {  	s0 =	sadd.s32 @!p0 $0x100000, s0;
	[bflag:$0x2] =	sbarrier.arrive @!p0 $0xFFFF  }
0x304: {  	[sflag:s0] =	ssyncadd.tile.s32 @!p0 $0x1;
	_ =	shalt  }
.LBB2_61:
.Ltmp37:
0x305: {  	(pc) =	sbr.rel .LBB2_66-.Ltmp37, $2  }
0x306: {  	_ =	sdelay $0x2  }
0x307: {  	v4 =	vimm.f32 $0.0e+00  }
.LBB2_63:
.Ltmp38:
0x308: {  	(pc) =	sbr.rel .LBB2_66-.Ltmp38, $2  }
0x309: {  	_ =	sdelay $0x2  }
0x30a: {  	v4 =	vimm.f32 $0.0e+00;
	s18 =	simm.s32 $0x1  }
.Lfunc_end2:
_tile_overlayer_lowered:
.L_overlay_start_2:
0x30b: {  	(tag) =	ssettag $0x2  }
0x30c: {  	s0 =	rddreg [dreg:$0x0];
	s2 =	stileid.u32  }
0x30d: {  	s1 =	rddreg [dreg:$0x1];
	p0 =	sne.s32 s2, $0x0  }
0x30e: {  	s3 =	rddreg [dreg:$0x2];
	[bflag:$0x3] =	sbarrier.arrive $0xFFFF;
	s2 =	simm.s32 @!p0 $0x1C02  }
0x30f: {  	[timem:s3], [sflag:s2] =	dma.local @!p0 [hbm:s0], s1  }
0x310: {  	s0 =	simm.s32 @!p0 $0x2  }
0x311: {  	_ =	swait.ge @!p0 [sflag:s0], s1  }
0x312: {  	s1 =	ssub.s32 @!p0 $0x0, s1;
	[sflag:s0] =	ssyncset.done @!p0 $0x0  }
0x313: {  	[sflag:s0] =	ssyncadd.s32 @!p0 s1  }
0x314: {  	[bflag:$0x3] =	sbarrier.arrive $0xFFFF  }
0x315: {  	_ =	shalt  }

</sc_bundles>
